<compile_context>
chip_gen: v7x
topology: tpu7x:2x2x1
jax: 0.10.2.dev20260603
libtpu: 0.0.44.dev20260713+nightly
codegen_flags: <defaults>
</compile_context>

<pallas_src>
import math

import jax
import jax.numpy as jnp
from jax import lax
from jax.experimental import pallas as pl
from jax.experimental.pallas import tpu as pltpu
from jax.experimental.pallas import tpu_sc as plsc

NUM_CORES = 2
NUM_SUBCORES = 16
NUM_WORKERS = NUM_CORES * NUM_SUBCORES
LANES = 16
NSLOT = 4


def _emb_body(x_hbm, lut_hbm, out_hbm, idx_v, rows_v, g0, g1, g2, g3, s0,
              s1, s2, s3):
    nu, h2 = idx_v.shape
    h = h2 // 2
    d = rows_v.shape[-1]
    scale = jnp.float32(math.sqrt(d))
    wid = lax.axis_index("s") * NUM_CORES + lax.axis_index("c")
    base = wid * nu
    gsem = (g0, g1, g2, g3)
    ssem = (s0, s1, s2, s3)

    def fire_gather(u, slot):
        pltpu.async_copy(
            lut_hbm.at[idx_v.at[u]], rows_v.at[slot], gsem[slot])

    def drain_gather(slot):
        pltpu.make_async_copy(
            lut_hbm.at[idx_v.at[0]], rows_v.at[slot], gsem[slot]).wait()

    def fire_store(u, slot):
        for half in range(2):
            pltpu.async_copy(
                rows_v.at[slot, pl.ds(half * h, h)],
                out_hbm.at[(base + u) * 2 + half, pl.ds(0, h), pl.ds(0, d)],
                ssem[slot])

    def drain_store(slot):
        for half in range(2):
            pltpu.make_async_copy(
                rows_v.at[slot, pl.ds(half * h, h)],
                out_hbm.at[0, pl.ds(0, h), pl.ds(0, d)], ssem[slot]).wait()

    def scale_slot(slot):
        def row_body(r, _):
            row = rows_v.at[slot, r]
            for k in range(d // LANES):
                sl = pl.ds(k * LANES, LANES)
                row[sl] = row[sl] * scale
            return 0

        lax.fori_loop(0, h2, row_body, 0, unroll=2)

    pltpu.sync_copy(x_hbm.at[pl.ds(base, nu)], idx_v)

    fire_gather(0, 0)
    fire_gather(1, 1)

    def group_body(t, _):
        for p in range(NSLOT):
            u = t * NSLOT + p
            q = (p + 2) % NSLOT
            if p < 2:
                @pl.when(t >= 1)
                def _():
                    drain_store(q)
                fire_gather(u + 2, q)
            else:
                drain_store(q)

                @pl.when(t < (nu // NSLOT) - 1)
                def _():
                    fire_gather(u + 2, q)
            drain_gather(p)
            scale_slot(p)
            fire_store(u, p)
        return 0

    lax.fori_loop(0, nu // NSLOT, group_body, 0)

    drain_store(2)
    drain_store(3)


def kernel(x, lut):
    b, h = x.shape
    v, d = lut.shape
    nu = b // (2 * NUM_WORKERS)
    assert b % (2 * NUM_WORKERS * NSLOT) == 0
    assert d % LANES == 0
    assert 2 * h <= 128
    hp = (h + 7) // 8 * 8
    dp = 128

    xi = x.astype(jnp.int32).reshape(b // 2, 2 * h)

    mesh = plsc.VectorSubcoreMesh(core_axis_name="c", subcore_axis_name="s")
    run = pl.kernel(
        _emb_body,
        out_type=jax.ShapeDtypeStruct((b, hp, dp), jnp.float32),
        mesh=mesh,
        scratch_types=[
            pltpu.VMEM((nu, 2 * h), jnp.int32),
            pltpu.VMEM((NSLOT, 2 * h, d), jnp.float32),
        ] + [pltpu.SemaphoreType.DMA] * 8,
        compiler_params=pltpu.CompilerParams(use_tc_tiling_on_sc=False),
    )
    buf = run(xi, lut)
    return buf[:, :h, :d]

# --- scband reference (transcript-rebuilt; emitter-appended) ---
"""Pipeline reference for scband-word-embedding-48816598287018 (READ-ONLY COPY).

The authoritative reference and input builder live on the scoring server;
editing this copy changes nothing except your own understanding.
"""

import jax, jax.numpy as jnp
import numpy as np
import math

VOCAB = 1000000
N_UNITS = 64
BATCH = 16384
HIST = 50

def setup_inputs(seed: int = 0) -> dict:
    key = jax.random.key(seed)
    k1, k2 = jax.random.split(key)
    x = jax.random.randint(k1, (BATCH, HIST), 0, VOCAB, dtype=jnp.int64 if jax.config.jax_enable_x64 else jnp.int32)
    lut = jax.random.normal(k2, (VOCAB, N_UNITS), dtype=jnp.float32)
    return {"x": x, "lut": lut}

def reference(x, lut):
    # WordEmbedding.forward: self.lut(x) * sqrt(n_units)
    emb = jnp.take(lut, x, axis=0)
    return emb * math.sqrt(N_UNITS)

if __name__ == "__main__":
    import jax
    _d = setup_inputs()
    print(jax.jit(kernel)(*tuple(_d.values())))

</pallas_src>

<mosaic_0001>
#map = affine_map<(d0, d1) -> (0, 0)>
#map1 = affine_map<(d0, d1) -> (0, 0, 0)>
module attributes {stable_mosaic.version = 14 : i64} {
  func.func @_emb_body(%arg0: i32, %arg1: i32, %arg2: memref<8192x100xi32, #tpu.memory_space<hbm>>, %arg3: memref<1000000x64xf32, #tpu.memory_space<hbm>>, %arg4: memref<16384x56x128xf32, #tpu.memory_space<hbm>>, %arg5: memref<256x100xi32, #tpu.memory_space<vmem>>, %arg6: memref<4x100x64xf32, #tpu.memory_space<vmem>>, %arg7: memref<!tpu.dma_semaphore, #tpu.memory_space<semaphore_mem>>, %arg8: memref<!tpu.dma_semaphore, #tpu.memory_space<semaphore_mem>>, %arg9: memref<!tpu.dma_semaphore, #tpu.memory_space<semaphore_mem>>, %arg10: memref<!tpu.dma_semaphore, #tpu.memory_space<semaphore_mem>>, %arg11: memref<!tpu.dma_semaphore, #tpu.memory_space<semaphore_mem>>, %arg12: memref<!tpu.dma_semaphore, #tpu.memory_space<semaphore_mem>>, %arg13: memref<!tpu.dma_semaphore, #tpu.memory_space<semaphore_mem>>, %arg14: memref<!tpu.dma_semaphore, #tpu.memory_space<semaphore_mem>>) attributes {dimension_semantics = [#tpu.dimension_semantics<core_parallel>, #tpu.dimension_semantics<subcore_parallel>], iteration_bounds = array<i64: 2, 16>, scalar_prefetch = 0 : i64, scratch_operands = 10 : i64, tpu.core_type = #tpu.core_type<sc_vector_subcore>, window_params = [{transform_indices = #map}, {transform_indices = #map}, {transform_indices = #map1}]} {
    %mul3A = arith.constant 2 : i32
    %mul3A_0 = arith.muli %arg1, %mul3A : i32
    %add3A = arith.addi %mul3A_0, %arg0 : i32
    %mul3A_1 = arith.constant 256 : i32
    %mul3A_2 = arith.muli %add3A, %mul3A_1 : i32
    "tpu.region"() ({
      %run_scoped3A = tpu.sem_alloc : memref<!tpu.dma_semaphore, #tpu.memory_space<semaphore_mem>>
      %dma_start3A_104 = arith.constant 0 : i32
      %dma_start3A_105 = tpu.memref_slice %arg2[%mul3A_2, %dma_start3A_104] : memref<8192x100xi32, #tpu.memory_space<hbm>> -> memref<256x100xi32, #tpu.memory_space<hbm>>
      %dma_start3A_106 = arith.constant 0 : i32
      %dma_start3A_107 = tpu.memref_slice %arg2[%mul3A_2, %dma_start3A_106] : memref<8192x100xi32, #tpu.memory_space<hbm>> -> memref<256x100xi32, #tpu.memory_space<hbm>>
      tpu.enqueue_dma source(%dma_start3A_107 : memref<256x100xi32, #tpu.memory_space<hbm>>) target(%arg5 : memref<256x100xi32, #tpu.memory_space<vmem>>) target_semaphore(%run_scoped3A : memref<!tpu.dma_semaphore, #tpu.memory_space<semaphore_mem>>)
      %dma_wait3A_108 = arith.constant 0 : i32
      %dma_wait3A_109 = tpu.memref_slice %arg2[%mul3A_2, %dma_wait3A_108] : memref<8192x100xi32, #tpu.memory_space<hbm>> -> memref<256x100xi32, #tpu.memory_space<hbm>>
      %dma_wait3A_110 = arith.constant 0 : i32
      %dma_wait3A_111 = tpu.memref_slice %arg2[%mul3A_2, %dma_wait3A_110] : memref<8192x100xi32, #tpu.memory_space<hbm>> -> memref<256x100xi32, #tpu.memory_space<hbm>>
      tpu.wait_dma2 semaphore(%run_scoped3A : memref<!tpu.dma_semaphore, #tpu.memory_space<semaphore_mem>>) src(%dma_wait3A_111 : memref<256x100xi32, #tpu.memory_space<hbm>>) dst(%arg5 : memref<256x100xi32, #tpu.memory_space<vmem>>)
      tpu.yield
    }) : () -> ()
    %dma_start3A = arith.constant 0 : i32
    %dma_start3A_3 = arith.constant 0 : i32
    %dma_start3A_4 = arith.constant 0 : i32
    %dma_start3A_5 = arith.constant 0 : i32
    %dma_start3A_6 = tpu.memref_slice %arg6[%dma_start3A_3, %dma_start3A_4, %dma_start3A_5] : memref<4x100x64xf32, #tpu.memory_space<vmem>> -> memref<1x100x64xf32, #tpu.memory_space<vmem>>
    %dma_start3A_7 = tpu.memref_squeeze %dma_start3A_6 : memref<1x100x64xf32, #tpu.memory_space<vmem>> -> memref<100x64xf32, #tpu.memory_space<vmem>>
    %dma_start3A_8 = arith.constant 0 : i32
    %dma_start3A_9 = tpu.memref_slice %arg5[%dma_start3A, %dma_start3A_8] : memref<256x100xi32, #tpu.memory_space<vmem>> -> memref<1x100xi32, #tpu.memory_space<vmem>>
    %dma_start3A_10 = tpu.memref_squeeze %dma_start3A_9 : memref<1x100xi32, #tpu.memory_space<vmem>> -> memref<100xi32, #tpu.memory_space<vmem>>
    %dma_start3A_11 = arith.constant 0 : i32
    %dma_start3A_12 = arith.constant 0 : i32
    %dma_start3A_13 = tpu.memref_slice %arg3[%dma_start3A_11, %dma_start3A_12] : memref<1000000x64xf32, #tpu.memory_space<hbm>> -> memref<1000000x64xf32, #tpu.memory_space<hbm>>
    tpu.enqueue_indirect_dma source(%dma_start3A_13 : memref<1000000x64xf32, #tpu.memory_space<hbm>>) target(%dma_start3A_7 : memref<100x64xf32, #tpu.memory_space<vmem>>) offsets(%dma_start3A_10 : memref<100xi32, #tpu.memory_space<vmem>>) semaphore(%arg7 : memref<!tpu.dma_semaphore, #tpu.memory_space<semaphore_mem>>)
    %dma_start3A_14 = arith.constant 1 : i32
    %dma_start3A_15 = arith.constant 1 : i32
    %dma_start3A_16 = arith.constant 0 : i32
    %dma_start3A_17 = arith.constant 0 : i32
    %dma_start3A_18 = tpu.memref_slice %arg6[%dma_start3A_15, %dma_start3A_16, %dma_start3A_17] : memref<4x100x64xf32, #tpu.memory_space<vmem>> -> memref<1x100x64xf32, #tpu.memory_space<vmem>>
    %dma_start3A_19 = tpu.memref_squeeze %dma_start3A_18 : memref<1x100x64xf32, #tpu.memory_space<vmem>> -> memref<100x64xf32, #tpu.memory_space<vmem>>
    %dma_start3A_20 = arith.constant 0 : i32
    %dma_start3A_21 = tpu.memref_slice %arg5[%dma_start3A_14, %dma_start3A_20] : memref<256x100xi32, #tpu.memory_space<vmem>> -> memref<1x100xi32, #tpu.memory_space<vmem>>
    %dma_start3A_22 = tpu.memref_squeeze %dma_start3A_21 : memref<1x100xi32, #tpu.memory_space<vmem>> -> memref<100xi32, #tpu.memory_space<vmem>>
    %dma_start3A_23 = arith.constant 0 : i32
    %dma_start3A_24 = arith.constant 0 : i32
    %dma_start3A_25 = tpu.memref_slice %arg3[%dma_start3A_23, %dma_start3A_24] : memref<1000000x64xf32, #tpu.memory_space<hbm>> -> memref<1000000x64xf32, #tpu.memory_space<hbm>>
    tpu.enqueue_indirect_dma source(%dma_start3A_25 : memref<1000000x64xf32, #tpu.memory_space<hbm>>) target(%dma_start3A_19 : memref<100x64xf32, #tpu.memory_space<vmem>>) offsets(%dma_start3A_22 : memref<100xi32, #tpu.memory_space<vmem>>) semaphore(%arg8 : memref<!tpu.dma_semaphore, #tpu.memory_space<semaphore_mem>>)
    %scan3A = arith.constant 8.000000e+00 : f32
    %scan3A_26 = arith.constant 0 : i32
    %scan3A_27 = arith.constant 0 : i32
    %scan3A_28 = arith.constant 64 : i32
    %scan3A_29 = arith.addi %scan3A_27, %scan3A_28 : i32
    %scan3A_30 = arith.constant 1 : i32
    %scan3A_31 = scf.for %scan3A_104 = %scan3A_27 to %scan3A_29 step %scan3A_30 iter_args(%scan3A_105 = %scan3A_26) -> (i32)  : i32 {
      %mul3A_106 = arith.constant 4 : i32
      %mul3A_107 = arith.muli %scan3A_104, %mul3A_106 : i32
      %add3A_108 = arith.constant 0 : i32
      %add3A_109 = arith.addi %mul3A_107, %add3A_108 : i32
      %ge3A = arith.constant 1 : i32
      %ge3A_110 = arith.cmpi sge, %scan3A_104, %ge3A : i32
      %convert_element_type3A = arith.extui %ge3A_110 : i1 to i32
      %cond3A = arith.constant 0 : i32
      %cond3A_111 = arith.cmpi ne, %convert_element_type3A, %cond3A : i32
      scf.if %cond3A_111 {
        %dma_wait3A_489 = arith.constant 2 : i32
        %dma_wait3A_490 = arith.constant 0 : i32
        %dma_wait3A_491 = arith.constant 0 : i32
        %dma_wait3A_492 = arith.constant 0 : i32
        %dma_wait3A_493 = tpu.memref_slice %arg6[%dma_wait3A_489, %dma_wait3A_491, %dma_wait3A_492] : memref<4x100x64xf32, #tpu.memory_space<vmem>> -> memref<1x50x64xf32, #tpu.memory_space<vmem>>
        %dma_wait3A_494 = tpu.memref_squeeze %dma_wait3A_493 : memref<1x50x64xf32, #tpu.memory_space<vmem>> -> memref<50x64xf32, #tpu.memory_space<vmem>>
        %dma_wait3A_495 = arith.constant 0 : i32
        %dma_wait3A_496 = arith.constant 0 : i32
        %dma_wait3A_497 = tpu.memref_slice %arg4[%dma_wait3A_490, %dma_wait3A_495, %dma_wait3A_496] : memref<16384x56x128xf32, #tpu.memory_space<hbm>> -> memref<1x50x64xf32, #tpu.memory_space<hbm>>
        %dma_wait3A_498 = tpu.memref_squeeze %dma_wait3A_497 : memref<1x50x64xf32, #tpu.memory_space<hbm>> -> memref<50x64xf32, #tpu.memory_space<hbm>>
        %dma_wait3A_499 = arith.constant 0 : i32
        %dma_wait3A_500 = arith.constant 0 : i32
        %dma_wait3A_501 = tpu.memref_slice %arg4[%dma_wait3A_490, %dma_wait3A_499, %dma_wait3A_500] : memref<16384x56x128xf32, #tpu.memory_space<hbm>> -> memref<1x50x64xf32, #tpu.memory_space<hbm>>
        %dma_wait3A_502 = tpu.memref_squeeze %dma_wait3A_501 : memref<1x50x64xf32, #tpu.memory_space<hbm>> -> memref<50x64xf32, #tpu.memory_space<hbm>>
        %dma_wait3A_503 = arith.constant 0 : i32
        %dma_wait3A_504 = arith.constant 0 : i32
        %dma_wait3A_505 = tpu.memref_slice %arg6[%dma_wait3A_489, %dma_wait3A_503, %dma_wait3A_504] : memref<4x100x64xf32, #tpu.memory_space<vmem>> -> memref<1x50x64xf32, #tpu.memory_space<vmem>>
        %dma_wait3A_506 = tpu.memref_squeeze %dma_wait3A_505 : memref<1x50x64xf32, #tpu.memory_space<vmem>> -> memref<50x64xf32, #tpu.memory_space<vmem>>
        tpu.wait_dma2 semaphore(%arg13 : memref<!tpu.dma_semaphore, #tpu.memory_space<semaphore_mem>>) src(%dma_wait3A_506 : memref<50x64xf32, #tpu.memory_space<vmem>>) dst(%dma_wait3A_502 : memref<50x64xf32, #tpu.memory_space<hbm>>)
        %dma_wait3A_507 = arith.constant 2 : i32
        %dma_wait3A_508 = arith.constant 0 : i32
        %dma_wait3A_509 = arith.constant 50 : i32
        %dma_wait3A_510 = arith.constant 0 : i32
        %dma_wait3A_511 = tpu.memref_slice %arg6[%dma_wait3A_507, %dma_wait3A_509, %dma_wait3A_510] : memref<4x100x64xf32, #tpu.memory_space<vmem>> -> memref<1x50x64xf32, #tpu.memory_space<vmem>>
        %dma_wait3A_512 = tpu.memref_squeeze %dma_wait3A_511 : memref<1x50x64xf32, #tpu.memory_space<vmem>> -> memref<50x64xf32, #tpu.memory_space<vmem>>
        %dma_wait3A_513 = arith.constant 0 : i32
        %dma_wait3A_514 = arith.constant 0 : i32
        %dma_wait3A_515 = tpu.memref_slice %arg4[%dma_wait3A_508, %dma_wait3A_513, %dma_wait3A_514] : memref<16384x56x128xf32, #tpu.memory_space<hbm>> -> memref<1x50x64xf32, #tpu.memory_space<hbm>>
        %dma_wait3A_516 = tpu.memref_squeeze %dma_wait3A_515 : memref<1x50x64xf32, #tpu.memory_space<hbm>> -> memref<50x64xf32, #tpu.memory_space<hbm>>
        %dma_wait3A_517 = arith.constant 0 : i32
        %dma_wait3A_518 = arith.constant 0 : i32
        %dma_wait3A_519 = tpu.memref_slice %arg4[%dma_wait3A_508, %dma_wait3A_517, %dma_wait3A_518] : memref<16384x56x128xf32, #tpu.memory_space<hbm>> -> memref<1x50x64xf32, #tpu.memory_space<hbm>>
        %dma_wait3A_520 = tpu.memref_squeeze %dma_wait3A_519 : memref<1x50x64xf32, #tpu.memory_space<hbm>> -> memref<50x64xf32, #tpu.memory_space<hbm>>
        %dma_wait3A_521 = arith.constant 50 : i32
        %dma_wait3A_522 = arith.constant 0 : i32
        %dma_wait3A_523 = tpu.memref_slice %arg6[%dma_wait3A_507, %dma_wait3A_521, %dma_wait3A_522] : memref<4x100x64xf32, #tpu.memory_space<vmem>> -> memref<1x50x64xf32, #tpu.memory_space<vmem>>
        %dma_wait3A_524 = tpu.memref_squeeze %dma_wait3A_523 : memref<1x50x64xf32, #tpu.memory_space<vmem>> -> memref<50x64xf32, #tpu.memory_space<vmem>>
        tpu.wait_dma2 semaphore(%arg13 : memref<!tpu.dma_semaphore, #tpu.memory_space<semaphore_mem>>) src(%dma_wait3A_524 : memref<50x64xf32, #tpu.memory_space<vmem>>) dst(%dma_wait3A_520 : memref<50x64xf32, #tpu.memory_space<hbm>>)
      } else {
      }
      %add3A_112 = arith.constant 2 : i32
      %add3A_113 = arith.addi %add3A_109, %add3A_112 : i32
      %dma_start3A_114 = arith.constant 2 : i32
      %dma_start3A_115 = arith.constant 0 : i32
      %dma_start3A_116 = arith.constant 0 : i32
      %dma_start3A_117 = tpu.memref_slice %arg6[%dma_start3A_114, %dma_start3A_115, %dma_start3A_116] : memref<4x100x64xf32, #tpu.memory_space<vmem>> -> memref<1x100x64xf32, #tpu.memory_space<vmem>>
      %dma_start3A_118 = tpu.memref_squeeze %dma_start3A_117 : memref<1x100x64xf32, #tpu.memory_space<vmem>> -> memref<100x64xf32, #tpu.memory_space<vmem>>
      %dma_start3A_119 = arith.constant 0 : i32
      %dma_start3A_120 = tpu.memref_slice %arg5[%add3A_113, %dma_start3A_119] : memref<256x100xi32, #tpu.memory_space<vmem>> -> memref<1x100xi32, #tpu.memory_space<vmem>>
      %dma_start3A_121 = tpu.memref_squeeze %dma_start3A_120 : memref<1x100xi32, #tpu.memory_space<vmem>> -> memref<100xi32, #tpu.memory_space<vmem>>
      %dma_start3A_122 = arith.constant 0 : i32
      %dma_start3A_123 = arith.constant 0 : i32
      %dma_start3A_124 = tpu.memref_slice %arg3[%dma_start3A_122, %dma_start3A_123] : memref<1000000x64xf32, #tpu.memory_space<hbm>> -> memref<1000000x64xf32, #tpu.memory_space<hbm>>
      tpu.enqueue_indirect_dma source(%dma_start3A_124 : memref<1000000x64xf32, #tpu.memory_space<hbm>>) target(%dma_start3A_118 : memref<100x64xf32, #tpu.memory_space<vmem>>) offsets(%dma_start3A_121 : memref<100xi32, #tpu.memory_space<vmem>>) semaphore(%arg9 : memref<!tpu.dma_semaphore, #tpu.memory_space<semaphore_mem>>)
      %dma_wait3A_125 = arith.constant 0 : i32
      %dma_wait3A_126 = arith.constant 0 : i32
      %dma_wait3A_127 = arith.constant 0 : i32
      %dma_wait3A_128 = arith.constant 0 : i32
      %dma_wait3A_129 = tpu.memref_slice %arg6[%dma_wait3A_126, %dma_wait3A_127, %dma_wait3A_128] : memref<4x100x64xf32, #tpu.memory_space<vmem>> -> memref<1x100x64xf32, #tpu.memory_space<vmem>>
      %dma_wait3A_130 = tpu.memref_squeeze %dma_wait3A_129 : memref<1x100x64xf32, #tpu.memory_space<vmem>> -> memref<100x64xf32, #tpu.memory_space<vmem>>
      %dma_wait3A_131 = arith.constant 0 : i32
      %dma_wait3A_132 = tpu.memref_slice %arg5[%dma_wait3A_125, %dma_wait3A_131] : memref<256x100xi32, #tpu.memory_space<vmem>> -> memref<1x100xi32, #tpu.memory_space<vmem>>
      %dma_wait3A_133 = tpu.memref_squeeze %dma_wait3A_132 : memref<1x100xi32, #tpu.memory_space<vmem>> -> memref<100xi32, #tpu.memory_space<vmem>>
      %dma_wait3A_134 = arith.constant 0 : i32
      %dma_wait3A_135 = arith.constant 0 : i32
      %dma_wait3A_136 = tpu.memref_slice %arg3[%dma_wait3A_134, %dma_wait3A_135] : memref<1000000x64xf32, #tpu.memory_space<hbm>> -> memref<1000000x64xf32, #tpu.memory_space<hbm>>
      tpu.wait_indirect_dma semaphore(%arg7 : memref<!tpu.dma_semaphore, #tpu.memory_space<semaphore_mem>>) src(%dma_wait3A_136 : memref<1000000x64xf32, #tpu.memory_space<hbm>>) dst(%dma_wait3A_130 : memref<100x64xf32, #tpu.memory_space<vmem>>)
      %scan3A_137 = arith.constant 0 : i32
      %scan3A_138 = arith.constant 0 : i32
      %scan3A_139 = arith.constant 100 : i32
      %scan3A_140 = arith.addi %scan3A_138, %scan3A_139 : i32
      %scan3A_141 = arith.constant 2 : i32
      %scan3A_142 = scf.for %scan3A_489 = %scan3A_138 to %scan3A_140 step %scan3A_141 iter_args(%scan3A_490 = %scan3A_137) -> (i32)  : i32 {
        %get3A = arith.constant 0 : i32
        %get3A_491 = arith.constant 0 : i32
        %get3A_492 = tpu.memref_slice %arg6[%get3A, %scan3A_489, %get3A_491] : memref<4x100x64xf32, #tpu.memory_space<vmem>> -> memref<1x1x64xf32, #tpu.memory_space<vmem>>
        %get3A_493 = tpu.memref_squeeze %get3A_492 : memref<1x1x64xf32, #tpu.memory_space<vmem>> -> memref<64xf32, #tpu.memory_space<vmem>>
        %get3A_494 = arith.constant 0 : index
        %get3A_495 = tpu.vector_load %get3A_493[%get3A_494] {strides = array<i32>} : memref<64xf32, #tpu.memory_space<vmem>>, vector<16xf32>,
        %get3A_496 = vector.shape_cast %get3A_495 : vector<16xf32> to vector<16xf32>
        %mul3A_497 = vector.broadcast %scan3A : f32 to vector<16xf32>
        %mul3A_498 = arith.mulf %get3A_496, %mul3A_497 : vector<16xf32>
        %swap3A = arith.constant 0 : i32
        %swap3A_499 = arith.constant 0 : i32
        %swap3A_500 = tpu.memref_slice %arg6[%swap3A, %scan3A_489, %swap3A_499] : memref<4x100x64xf32, #tpu.memory_space<vmem>> -> memref<1x1x64xf32, #tpu.memory_space<vmem>>
        %swap3A_501 = tpu.memref_squeeze %swap3A_500 : memref<1x1x64xf32, #tpu.memory_space<vmem>> -> memref<64xf32, #tpu.memory_space<vmem>>
        %swap3A_502 = arith.constant 0 : index
        %swap3A_503 = tpu.vector_load %swap3A_501[%swap3A_502] {strides = array<i32>} : memref<64xf32, #tpu.memory_space<vmem>>, vector<16xf32>,
        %swap3A_504 = vector.shape_cast %swap3A_503 : vector<16xf32> to vector<16xf32>
        %swap3A_505 = vector.shape_cast %mul3A_498 : vector<16xf32> to vector<16xf32>
        tpu.vector_store %swap3A_501[%swap3A_502], %swap3A_505 {strides = array<i32>} : memref<64xf32, #tpu.memory_space<vmem>>, vector<16xf32>,
        %get3A_506 = arith.constant 0 : i32
        %get3A_507 = arith.constant 0 : i32
        %get3A_508 = tpu.memref_slice %arg6[%get3A_506, %scan3A_489, %get3A_507] : memref<4x100x64xf32, #tpu.memory_space<vmem>> -> memref<1x1x64xf32, #tpu.memory_space<vmem>>
        %get3A_509 = tpu.memref_squeeze %get3A_508 : memref<1x1x64xf32, #tpu.memory_space<vmem>> -> memref<64xf32, #tpu.memory_space<vmem>>
        %get3A_510 = arith.constant 16 : index
        %get3A_511 = tpu.vector_load %get3A_509[%get3A_510] {strides = array<i32>} : memref<64xf32, #tpu.memory_space<vmem>>, vector<16xf32>,
        %get3A_512 = vector.shape_cast %get3A_511 : vector<16xf32> to vector<16xf32>
        %mul3A_513 = vector.broadcast %scan3A : f32 to vector<16xf32>
        %mul3A_514 = arith.mulf %get3A_512, %mul3A_513 : vector<16xf32>
        %swap3A_515 = arith.constant 0 : i32
        %swap3A_516 = arith.constant 0 : i32
        %swap3A_517 = tpu.memref_slice %arg6[%swap3A_515, %scan3A_489, %swap3A_516] : memref<4x100x64xf32, #tpu.memory_space<vmem>> -> memref<1x1x64xf32, #tpu.memory_space<vmem>>
        %swap3A_518 = tpu.memref_squeeze %swap3A_517 : memref<1x1x64xf32, #tpu.memory_space<vmem>> -> memref<64xf32, #tpu.memory_space<vmem>>
        %swap3A_519 = arith.constant 16 : index
        %swap3A_520 = tpu.vector_load %swap3A_518[%swap3A_519] {strides = array<i32>} : memref<64xf32, #tpu.memory_space<vmem>>, vector<16xf32>,
        %swap3A_521 = vector.shape_cast %swap3A_520 : vector<16xf32> to vector<16xf32>
        %swap3A_522 = vector.shape_cast %mul3A_514 : vector<16xf32> to vector<16xf32>
        tpu.vector_store %swap3A_518[%swap3A_519], %swap3A_522 {strides = array<i32>} : memref<64xf32, #tpu.memory_space<vmem>>, vector<16xf32>,
        %get3A_523 = arith.constant 0 : i32
        %get3A_524 = arith.constant 0 : i32
        %get3A_525 = tpu.memref_slice %arg6[%get3A_523, %scan3A_489, %get3A_524] : memref<4x100x64xf32, #tpu.memory_space<vmem>> -> memref<1x1x64xf32, #tpu.memory_space<vmem>>
        %get3A_526 = tpu.memref_squeeze %get3A_525 : memref<1x1x64xf32, #tpu.memory_space<vmem>> -> memref<64xf32, #tpu.memory_space<vmem>>
        %get3A_527 = arith.constant 32 : index
        %get3A_528 = tpu.vector_load %get3A_526[%get3A_527] {strides = array<i32>} : memref<64xf32, #tpu.memory_space<vmem>>, vector<16xf32>,
        %get3A_529 = vector.shape_cast %get3A_528 : vector<16xf32> to vector<16xf32>
        %mul3A_530 = vector.broadcast %scan3A : f32 to vector<16xf32>
        %mul3A_531 = arith.mulf %get3A_529, %mul3A_530 : vector<16xf32>
        %swap3A_532 = arith.constant 0 : i32
        %swap3A_533 = arith.constant 0 : i32
        %swap3A_534 = tpu.memref_slice %arg6[%swap3A_532, %scan3A_489, %swap3A_533] : memref<4x100x64xf32, #tpu.memory_space<vmem>> -> memref<1x1x64xf32, #tpu.memory_space<vmem>>
        %swap3A_535 = tpu.memref_squeeze %swap3A_534 : memref<1x1x64xf32, #tpu.memory_space<vmem>> -> memref<64xf32, #tpu.memory_space<vmem>>
        %swap3A_536 = arith.constant 32 : index
        %swap3A_537 = tpu.vector_load %swap3A_535[%swap3A_536] {strides = array<i32>} : memref<64xf32, #tpu.memory_space<vmem>>, vector<16xf32>,
        %swap3A_538 = vector.shape_cast %swap3A_537 : vector<16xf32> to vector<16xf32>
        %swap3A_539 = vector.shape_cast %mul3A_531 : vector<16xf32> to vector<16xf32>
        tpu.vector_store %swap3A_535[%swap3A_536], %swap3A_539 {strides = array<i32>} : memref<64xf32, #tpu.memory_space<vmem>>, vector<16xf32>,
        %get3A_540 = arith.constant 0 : i32
        %get3A_541 = arith.constant 0 : i32
        %get3A_542 = tpu.memref_slice %arg6[%get3A_540, %scan3A_489, %get3A_541] : memref<4x100x64xf32, #tpu.memory_space<vmem>> -> memref<1x1x64xf32, #tpu.memory_space<vmem>>
        %get3A_543 = tpu.memref_squeeze %get3A_542 : memref<1x1x64xf32, #tpu.memory_space<vmem>> -> memref<64xf32, #tpu.memory_space<vmem>>
        %get3A_544 = arith.constant 48 : index
        %get3A_545 = tpu.vector_load %get3A_543[%get3A_544] {strides = array<i32>} : memref<64xf32, #tpu.memory_space<vmem>>, vector<16xf32>,
        %get3A_546 = vector.shape_cast %get3A_545 : vector<16xf32> to vector<16xf32>
        %mul3A_547 = vector.broadcast %scan3A : f32 to vector<16xf32>
        %mul3A_548 = arith.mulf %get3A_546, %mul3A_547 : vector<16xf32>
        %swap3A_549 = arith.constant 0 : i32
        %swap3A_550 = arith.constant 0 : i32
        %swap3A_551 = tpu.memref_slice %arg6[%swap3A_549, %scan3A_489, %swap3A_550] : memref<4x100x64xf32, #tpu.memory_space<vmem>> -> memref<1x1x64xf32, #tpu.memory_space<vmem>>
        %swap3A_552 = tpu.memref_squeeze %swap3A_551 : memref<1x1x64xf32, #tpu.memory_space<vmem>> -> memref<64xf32, #tpu.memory_space<vmem>>
        %swap3A_553 = arith.constant 48 : index
        %swap3A_554 = tpu.vector_load %swap3A_552[%swap3A_553] {strides = array<i32>} : memref<64xf32, #tpu.memory_space<vmem>>, vector<16xf32>,
        %swap3A_555 = vector.shape_cast %swap3A_554 : vector<16xf32> to vector<16xf32>
        %swap3A_556 = vector.shape_cast %mul3A_548 : vector<16xf32> to vector<16xf32>
        tpu.vector_store %swap3A_552[%swap3A_553], %swap3A_556 {strides = array<i32>} : memref<64xf32, #tpu.memory_space<vmem>>, vector<16xf32>,
        %scan3A_557 = arith.constant 0 : i32
        %scan3A_558 = arith.constant 1 : i32
        %scan3A_559 = arith.addi %scan3A_489, %scan3A_558 : i32
        %get3A_560 = arith.constant 0 : i32
        %get3A_561 = arith.constant 0 : i32
        %get3A_562 = tpu.memref_slice %arg6[%get3A_560, %scan3A_559, %get3A_561] : memref<4x100x64xf32, #tpu.memory_space<vmem>> -> memref<1x1x64xf32, #tpu.memory_space<vmem>>
        %get3A_563 = tpu.memref_squeeze %get3A_562 : memref<1x1x64xf32, #tpu.memory_space<vmem>> -> memref<64xf32, #tpu.memory_space<vmem>>
        %get3A_564 = arith.constant 0 : index
        %get3A_565 = tpu.vector_load %get3A_563[%get3A_564] {strides = array<i32>} : memref<64xf32, #tpu.memory_space<vmem>>, vector<16xf32>,
        %get3A_566 = vector.shape_cast %get3A_565 : vector<16xf32> to vector<16xf32>
        %mul3A_567 = vector.broadcast %scan3A : f32 to vector<16xf32>
        %mul3A_568 = arith.mulf %get3A_566, %mul3A_567 : vector<16xf32>
        %swap3A_569 = arith.constant 0 : i32
        %swap3A_570 = arith.constant 0 : i32
        %swap3A_571 = tpu.memref_slice %arg6[%swap3A_569, %scan3A_559, %swap3A_570] : memref<4x100x64xf32, #tpu.memory_space<vmem>> -> memref<1x1x64xf32, #tpu.memory_space<vmem>>
        %swap3A_572 = tpu.memref_squeeze %swap3A_571 : memref<1x1x64xf32, #tpu.memory_space<vmem>> -> memref<64xf32, #tpu.memory_space<vmem>>
        %swap3A_573 = arith.constant 0 : index
        %swap3A_574 = tpu.vector_load %swap3A_572[%swap3A_573] {strides = array<i32>} : memref<64xf32, #tpu.memory_space<vmem>>, vector<16xf32>,
        %swap3A_575 = vector.shape_cast %swap3A_574 : vector<16xf32> to vector<16xf32>
        %swap3A_576 = vector.shape_cast %mul3A_568 : vector<16xf32> to vector<16xf32>
        tpu.vector_store %swap3A_572[%swap3A_573], %swap3A_576 {strides = array<i32>} : memref<64xf32, #tpu.memory_space<vmem>>, vector<16xf32>,
        %get3A_577 = arith.constant 0 : i32
        %get3A_578 = arith.constant 0 : i32
        %get3A_579 = tpu.memref_slice %arg6[%get3A_577, %scan3A_559, %get3A_578] : memref<4x100x64xf32, #tpu.memory_space<vmem>> -> memref<1x1x64xf32, #tpu.memory_space<vmem>>
        %get3A_580 = tpu.memref_squeeze %get3A_579 : memref<1x1x64xf32, #tpu.memory_space<vmem>> -> memref<64xf32, #tpu.memory_space<vmem>>
        %get3A_581 = arith.constant 16 : index
        %get3A_582 = tpu.vector_load %get3A_580[%get3A_581] {strides = array<i32>} : memref<64xf32, #tpu.memory_space<vmem>>, vector<16xf32>,
        %get3A_583 = vector.shape_cast %get3A_582 : vector<16xf32> to vector<16xf32>
        %mul3A_584 = vector.broadcast %scan3A : f32 to vector<16xf32>
        %mul3A_585 = arith.mulf %get3A_583, %mul3A_584 : vector<16xf32>
        %swap3A_586 = arith.constant 0 : i32
        %swap3A_587 = arith.constant 0 : i32
        %swap3A_588 = tpu.memref_slice %arg6[%swap3A_586, %scan3A_559, %swap3A_587] : memref<4x100x64xf32, #tpu.memory_space<vmem>> -> memref<1x1x64xf32, #tpu.memory_space<vmem>>
        %swap3A_589 = tpu.memref_squeeze %swap3A_588 : memref<1x1x64xf32, #tpu.memory_space<vmem>> -> memref<64xf32, #tpu.memory_space<vmem>>
        %swap3A_590 = arith.constant 16 : index
        %swap3A_591 = tpu.vector_load %swap3A_589[%swap3A_590] {strides = array<i32>} : memref<64xf32, #tpu.memory_space<vmem>>, vector<16xf32>,
        %swap3A_592 = vector.shape_cast %swap3A_591 : vector<16xf32> to vector<16xf32>
        %swap3A_593 = vector.shape_cast %mul3A_585 : vector<16xf32> to vector<16xf32>
        tpu.vector_store %swap3A_589[%swap3A_590], %swap3A_593 {strides = array<i32>} : memref<64xf32, #tpu.memory_space<vmem>>, vector<16xf32>,
        %get3A_594 = arith.constant 0 : i32
        %get3A_595 = arith.constant 0 : i32
        %get3A_596 = tpu.memref_slice %arg6[%get3A_594, %scan3A_559, %get3A_595] : memref<4x100x64xf32, #tpu.memory_space<vmem>> -> memref<1x1x64xf32, #tpu.memory_space<vmem>>
        %get3A_597 = tpu.memref_squeeze %get3A_596 : memref<1x1x64xf32, #tpu.memory_space<vmem>> -> memref<64xf32, #tpu.memory_space<vmem>>
        %get3A_598 = arith.constant 32 : index
        %get3A_599 = tpu.vector_load %get3A_597[%get3A_598] {strides = array<i32>} : memref<64xf32, #tpu.memory_space<vmem>>, vector<16xf32>,
        %get3A_600 = vector.shape_cast %get3A_599 : vector<16xf32> to vector<16xf32>
        %mul3A_601 = vector.broadcast %scan3A : f32 to vector<16xf32>
        %mul3A_602 = arith.mulf %get3A_600, %mul3A_601 : vector<16xf32>
        %swap3A_603 = arith.constant 0 : i32
        %swap3A_604 = arith.constant 0 : i32
        %swap3A_605 = tpu.memref_slice %arg6[%swap3A_603, %scan3A_559, %swap3A_604] : memref<4x100x64xf32, #tpu.memory_space<vmem>> -> memref<1x1x64xf32, #tpu.memory_space<vmem>>
        %swap3A_606 = tpu.memref_squeeze %swap3A_605 : memref<1x1x64xf32, #tpu.memory_space<vmem>> -> memref<64xf32, #tpu.memory_space<vmem>>
        %swap3A_607 = arith.constant 32 : index
        %swap3A_608 = tpu.vector_load %swap3A_606[%swap3A_607] {strides = array<i32>} : memref<64xf32, #tpu.memory_space<vmem>>, vector<16xf32>,
        %swap3A_609 = vector.shape_cast %swap3A_608 : vector<16xf32> to vector<16xf32>
        %swap3A_610 = vector.shape_cast %mul3A_602 : vector<16xf32> to vector<16xf32>
        tpu.vector_store %swap3A_606[%swap3A_607], %swap3A_610 {strides = array<i32>} : memref<64xf32, #tpu.memory_space<vmem>>, vector<16xf32>,
        %get3A_611 = arith.constant 0 : i32
        %get3A_612 = arith.constant 0 : i32
        %get3A_613 = tpu.memref_slice %arg6[%get3A_611, %scan3A_559, %get3A_612] : memref<4x100x64xf32, #tpu.memory_space<vmem>> -> memref<1x1x64xf32, #tpu.memory_space<vmem>>
        %get3A_614 = tpu.memref_squeeze %get3A_613 : memref<1x1x64xf32, #tpu.memory_space<vmem>> -> memref<64xf32, #tpu.memory_space<vmem>>
        %get3A_615 = arith.constant 48 : index
        %get3A_616 = tpu.vector_load %get3A_614[%get3A_615] {strides = array<i32>} : memref<64xf32, #tpu.memory_space<vmem>>, vector<16xf32>,
        %get3A_617 = vector.shape_cast %get3A_616 : vector<16xf32> to vector<16xf32>
        %mul3A_618 = vector.broadcast %scan3A : f32 to vector<16xf32>
        %mul3A_619 = arith.mulf %get3A_617, %mul3A_618 : vector<16xf32>
        %swap3A_620 = arith.constant 0 : i32
        %swap3A_621 = arith.constant 0 : i32
        %swap3A_622 = tpu.memref_slice %arg6[%swap3A_620, %scan3A_559, %swap3A_621] : memref<4x100x64xf32, #tpu.memory_space<vmem>> -> memref<1x1x64xf32, #tpu.memory_space<vmem>>
        %swap3A_623 = tpu.memref_squeeze %swap3A_622 : memref<1x1x64xf32, #tpu.memory_space<vmem>> -> memref<64xf32, #tpu.memory_space<vmem>>
        %swap3A_624 = arith.constant 48 : index
        %swap3A_625 = tpu.vector_load %swap3A_623[%swap3A_624] {strides = array<i32>} : memref<64xf32, #tpu.memory_space<vmem>>, vector<16xf32>,
        %swap3A_626 = vector.shape_cast %swap3A_625 : vector<16xf32> to vector<16xf32>
        %swap3A_627 = vector.shape_cast %mul3A_619 : vector<16xf32> to vector<16xf32>
        tpu.vector_store %swap3A_623[%swap3A_624], %swap3A_627 {strides = array<i32>} : memref<64xf32, #tpu.memory_space<vmem>>, vector<16xf32>,
        %scan3A_628 = arith.constant 0 : i32
        scf.yield %scan3A_628 : i32
      }
      %scan3A_143 = arith.constant 100 : i32
      %add3A_144 = arith.addi %mul3A_2, %add3A_109 : i32
      %mul3A_145 = arith.constant 2 : i32
      %mul3A_146 = arith.muli %add3A_144, %mul3A_145 : i32
      %add3A_147 = arith.constant 0 : i32
      %add3A_148 = arith.addi %mul3A_146, %add3A_147 : i32
      %dma_start3A_149 = arith.constant 0 : i32
      %dma_start3A_150 = arith.constant 0 : i32
      %dma_start3A_151 = arith.constant 0 : i32
      %dma_start3A_152 = tpu.memref_slice %arg6[%dma_start3A_149, %dma_start3A_150, %dma_start3A_151] : memref<4x100x64xf32, #tpu.memory_space<vmem>> -> memref<1x50x64xf32, #tpu.memory_space<vmem>>
      %dma_start3A_153 = tpu.memref_squeeze %dma_start3A_152 : memref<1x50x64xf32, #tpu.memory_space<vmem>> -> memref<50x64xf32, #tpu.memory_space<vmem>>
      %dma_start3A_154 = arith.constant 0 : i32
      %dma_start3A_155 = arith.constant 0 : i32
      %dma_start3A_156 = tpu.memref_slice %arg4[%add3A_148, %dma_start3A_154, %dma_start3A_155] : memref<16384x56x128xf32, #tpu.memory_space<hbm>> -> memref<1x50x64xf32, #tpu.memory_space<hbm>>
      %dma_start3A_157 = tpu.memref_squeeze %dma_start3A_156 : memref<1x50x64xf32, #tpu.memory_space<hbm>> -> memref<50x64xf32, #tpu.memory_space<hbm>>
      %dma_start3A_158 = arith.constant 0 : i32
      %dma_start3A_159 = arith.constant 0 : i32
      %dma_start3A_160 = tpu.memref_slice %arg4[%add3A_148, %dma_start3A_158, %dma_start3A_159] : memref<16384x56x128xf32, #tpu.memory_space<hbm>> -> memref<1x50x64xf32, #tpu.memory_space<hbm>>
      %dma_start3A_161 = tpu.memref_squeeze %dma_start3A_160 : memref<1x50x64xf32, #tpu.memory_space<hbm>> -> memref<50x64xf32, #tpu.memory_space<hbm>>
      %dma_start3A_162 = arith.constant 0 : i32
      %dma_start3A_163 = arith.constant 0 : i32
      %dma_start3A_164 = tpu.memref_slice %arg6[%dma_start3A_149, %dma_start3A_162, %dma_start3A_163] : memref<4x100x64xf32, #tpu.memory_space<vmem>> -> memref<1x50x64xf32, #tpu.memory_space<vmem>>
      %dma_start3A_165 = tpu.memref_squeeze %dma_start3A_164 : memref<1x50x64xf32, #tpu.memory_space<vmem>> -> memref<50x64xf32, #tpu.memory_space<vmem>>
      tpu.enqueue_dma source(%dma_start3A_165 : memref<50x64xf32, #tpu.memory_space<vmem>>) target(%dma_start3A_161 : memref<50x64xf32, #tpu.memory_space<hbm>>) target_semaphore(%arg11 : memref<!tpu.dma_semaphore, #tpu.memory_space<semaphore_mem>>)
      %add3A_166 = arith.addi %mul3A_2, %add3A_109 : i32
      %mul3A_167 = arith.constant 2 : i32
      %mul3A_168 = arith.muli %add3A_166, %mul3A_167 : i32
      %add3A_169 = arith.constant 1 : i32
      %add3A_170 = arith.addi %mul3A_168, %add3A_169 : i32
      %dma_start3A_171 = arith.constant 0 : i32
      %dma_start3A_172 = arith.constant 50 : i32
      %dma_start3A_173 = arith.constant 0 : i32
      %dma_start3A_174 = tpu.memref_slice %arg6[%dma_start3A_171, %dma_start3A_172, %dma_start3A_173] : memref<4x100x64xf32, #tpu.memory_space<vmem>> -> memref<1x50x64xf32, #tpu.memory_space<vmem>>
      %dma_start3A_175 = tpu.memref_squeeze %dma_start3A_174 : memref<1x50x64xf32, #tpu.memory_space<vmem>> -> memref<50x64xf32, #tpu.memory_space<vmem>>
      %dma_start3A_176 = arith.constant 0 : i32
      %dma_start3A_177 = arith.constant 0 : i32
      %dma_start3A_178 = tpu.memref_slice %arg4[%add3A_170, %dma_start3A_176, %dma_start3A_177] : memref<16384x56x128xf32, #tpu.memory_space<hbm>> -> memref<1x50x64xf32, #tpu.memory_space<hbm>>
      %dma_start3A_179 = tpu.memref_squeeze %dma_start3A_178 : memref<1x50x64xf32, #tpu.memory_space<hbm>> -> memref<50x64xf32, #tpu.memory_space<hbm>>
      %dma_start3A_180 = arith.constant 0 : i32
      %dma_start3A_181 = arith.constant 0 : i32
      %dma_start3A_182 = tpu.memref_slice %arg4[%add3A_170, %dma_start3A_180, %dma_start3A_181] : memref<16384x56x128xf32, #tpu.memory_space<hbm>> -> memref<1x50x64xf32, #tpu.memory_space<hbm>>
      %dma_start3A_183 = tpu.memref_squeeze %dma_start3A_182 : memref<1x50x64xf32, #tpu.memory_space<hbm>> -> memref<50x64xf32, #tpu.memory_space<hbm>>
      %dma_start3A_184 = arith.constant 50 : i32
      %dma_start3A_185 = arith.constant 0 : i32
      %dma_start3A_186 = tpu.memref_slice %arg6[%dma_start3A_171, %dma_start3A_184, %dma_start3A_185] : memref<4x100x64xf32, #tpu.memory_space<vmem>> -> memref<1x50x64xf32, #tpu.memory_space<vmem>>
      %dma_start3A_187 = tpu.memref_squeeze %dma_start3A_186 : memref<1x50x64xf32, #tpu.memory_space<vmem>> -> memref<50x64xf32, #tpu.memory_space<vmem>>
      tpu.enqueue_dma source(%dma_start3A_187 : memref<50x64xf32, #tpu.memory_space<vmem>>) target(%dma_start3A_183 : memref<50x64xf32, #tpu.memory_space<hbm>>) target_semaphore(%arg11 : memref<!tpu.dma_semaphore, #tpu.memory_space<semaphore_mem>>)
      %mul3A_188 = arith.constant 4 : i32
      %mul3A_189 = arith.muli %scan3A_104, %mul3A_188 : i32
      %add3A_190 = arith.constant 1 : i32
      %add3A_191 = arith.addi %mul3A_189, %add3A_190 : i32
      %ge3A_192 = arith.constant 1 : i32
      %ge3A_193 = arith.cmpi sge, %scan3A_104, %ge3A_192 : i32
      %convert_element_type3A_194 = arith.extui %ge3A_193 : i1 to i32
      %cond3A_195 = arith.constant 0 : i32
      %cond3A_196 = arith.cmpi ne, %convert_element_type3A_194, %cond3A_195 : i32
      scf.if %cond3A_196 {
        %dma_wait3A_489 = arith.constant 3 : i32
        %dma_wait3A_490 = arith.constant 0 : i32
        %dma_wait3A_491 = arith.constant 0 : i32
        %dma_wait3A_492 = arith.constant 0 : i32
        %dma_wait3A_493 = tpu.memref_slice %arg6[%dma_wait3A_489, %dma_wait3A_491, %dma_wait3A_492] : memref<4x100x64xf32, #tpu.memory_space<vmem>> -> memref<1x50x64xf32, #tpu.memory_space<vmem>>
        %dma_wait3A_494 = tpu.memref_squeeze %dma_wait3A_493 : memref<1x50x64xf32, #tpu.memory_space<vmem>> -> memref<50x64xf32, #tpu.memory_space<vmem>>
        %dma_wait3A_495 = arith.constant 0 : i32
        %dma_wait3A_496 = arith.constant 0 : i32
        %dma_wait3A_497 = tpu.memref_slice %arg4[%dma_wait3A_490, %dma_wait3A_495, %dma_wait3A_496] : memref<16384x56x128xf32, #tpu.memory_space<hbm>> -> memref<1x50x64xf32, #tpu.memory_space<hbm>>
        %dma_wait3A_498 = tpu.memref_squeeze %dma_wait3A_497 : memref<1x50x64xf32, #tpu.memory_space<hbm>> -> memref<50x64xf32, #tpu.memory_space<hbm>>
        %dma_wait3A_499 = arith.constant 0 : i32
        %dma_wait3A_500 = arith.constant 0 : i32
        %dma_wait3A_501 = tpu.memref_slice %arg4[%dma_wait3A_490, %dma_wait3A_499, %dma_wait3A_500] : memref<16384x56x128xf32, #tpu.memory_space<hbm>> -> memref<1x50x64xf32, #tpu.memory_space<hbm>>
        %dma_wait3A_502 = tpu.memref_squeeze %dma_wait3A_501 : memref<1x50x64xf32, #tpu.memory_space<hbm>> -> memref<50x64xf32, #tpu.memory_space<hbm>>
        %dma_wait3A_503 = arith.constant 0 : i32
        %dma_wait3A_504 = arith.constant 0 : i32
        %dma_wait3A_505 = tpu.memref_slice %arg6[%dma_wait3A_489, %dma_wait3A_503, %dma_wait3A_504] : memref<4x100x64xf32, #tpu.memory_space<vmem>> -> memref<1x50x64xf32, #tpu.memory_space<vmem>>
        %dma_wait3A_506 = tpu.memref_squeeze %dma_wait3A_505 : memref<1x50x64xf32, #tpu.memory_space<vmem>> -> memref<50x64xf32, #tpu.memory_space<vmem>>
        tpu.wait_dma2 semaphore(%arg14 : memref<!tpu.dma_semaphore, #tpu.memory_space<semaphore_mem>>) src(%dma_wait3A_506 : memref<50x64xf32, #tpu.memory_space<vmem>>) dst(%dma_wait3A_502 : memref<50x64xf32, #tpu.memory_space<hbm>>)
        %dma_wait3A_507 = arith.constant 3 : i32
        %dma_wait3A_508 = arith.constant 0 : i32
        %dma_wait3A_509 = arith.constant 50 : i32
        %dma_wait3A_510 = arith.constant 0 : i32
        %dma_wait3A_511 = tpu.memref_slice %arg6[%dma_wait3A_507, %dma_wait3A_509, %dma_wait3A_510] : memref<4x100x64xf32, #tpu.memory_space<vmem>> -> memref<1x50x64xf32, #tpu.memory_space<vmem>>
        %dma_wait3A_512 = tpu.memref_squeeze %dma_wait3A_511 : memref<1x50x64xf32, #tpu.memory_space<vmem>> -> memref<50x64xf32, #tpu.memory_space<vmem>>
        %dma_wait3A_513 = arith.constant 0 : i32
        %dma_wait3A_514 = arith.constant 0 : i32
        %dma_wait3A_515 = tpu.memref_slice %arg4[%dma_wait3A_508, %dma_wait3A_513, %dma_wait3A_514] : memref<16384x56x128xf32, #tpu.memory_space<hbm>> -> memref<1x50x64xf32, #tpu.memory_space<hbm>>
        %dma_wait3A_516 = tpu.memref_squeeze %dma_wait3A_515 : memref<1x50x64xf32, #tpu.memory_space<hbm>> -> memref<50x64xf32, #tpu.memory_space<hbm>>
        %dma_wait3A_517 = arith.constant 0 : i32
        %dma_wait3A_518 = arith.constant 0 : i32
        %dma_wait3A_519 = tpu.memref_slice %arg4[%dma_wait3A_508, %dma_wait3A_517, %dma_wait3A_518] : memref<16384x56x128xf32, #tpu.memory_space<hbm>> -> memref<1x50x64xf32, #tpu.memory_space<hbm>>
        %dma_wait3A_520 = tpu.memref_squeeze %dma_wait3A_519 : memref<1x50x64xf32, #tpu.memory_space<hbm>> -> memref<50x64xf32, #tpu.memory_space<hbm>>
        %dma_wait3A_521 = arith.constant 50 : i32
        %dma_wait3A_522 = arith.constant 0 : i32
        %dma_wait3A_523 = tpu.memref_slice %arg6[%dma_wait3A_507, %dma_wait3A_521, %dma_wait3A_522] : memref<4x100x64xf32, #tpu.memory_space<vmem>> -> memref<1x50x64xf32, #tpu.memory_space<vmem>>
        %dma_wait3A_524 = tpu.memref_squeeze %dma_wait3A_523 : memref<1x50x64xf32, #tpu.memory_space<vmem>> -> memref<50x64xf32, #tpu.memory_space<vmem>>
        tpu.wait_dma2 semaphore(%arg14 : memref<!tpu.dma_semaphore, #tpu.memory_space<semaphore_mem>>) src(%dma_wait3A_524 : memref<50x64xf32, #tpu.memory_space<vmem>>) dst(%dma_wait3A_520 : memref<50x64xf32, #tpu.memory_space<hbm>>)
      } else {
      }
      %add3A_197 = arith.constant 2 : i32
      %add3A_198 = arith.addi %add3A_191, %add3A_197 : i32
      %dma_start3A_199 = arith.constant 3 : i32
      %dma_start3A_200 = arith.constant 0 : i32
      %dma_start3A_201 = arith.constant 0 : i32
      %dma_start3A_202 = tpu.memref_slice %arg6[%dma_start3A_199, %dma_start3A_200, %dma_start3A_201] : memref<4x100x64xf32, #tpu.memory_space<vmem>> -> memref<1x100x64xf32, #tpu.memory_space<vmem>>
      %dma_start3A_203 = tpu.memref_squeeze %dma_start3A_202 : memref<1x100x64xf32, #tpu.memory_space<vmem>> -> memref<100x64xf32, #tpu.memory_space<vmem>>
      %dma_start3A_204 = arith.constant 0 : i32
      %dma_start3A_205 = tpu.memref_slice %arg5[%add3A_198, %dma_start3A_204] : memref<256x100xi32, #tpu.memory_space<vmem>> -> memref<1x100xi32, #tpu.memory_space<vmem>>
      %dma_start3A_206 = tpu.memref_squeeze %dma_start3A_205 : memref<1x100xi32, #tpu.memory_space<vmem>> -> memref<100xi32, #tpu.memory_space<vmem>>
      %dma_start3A_207 = arith.constant 0 : i32
      %dma_start3A_208 = arith.constant 0 : i32
      %dma_start3A_209 = tpu.memref_slice %arg3[%dma_start3A_207, %dma_start3A_208] : memref<1000000x64xf32, #tpu.memory_space<hbm>> -> memref<1000000x64xf32, #tpu.memory_space<hbm>>
      tpu.enqueue_indirect_dma source(%dma_start3A_209 : memref<1000000x64xf32, #tpu.memory_space<hbm>>) target(%dma_start3A_203 : memref<100x64xf32, #tpu.memory_space<vmem>>) offsets(%dma_start3A_206 : memref<100xi32, #tpu.memory_space<vmem>>) semaphore(%arg10 : memref<!tpu.dma_semaphore, #tpu.memory_space<semaphore_mem>>)
      %dma_wait3A_210 = arith.constant 0 : i32
      %dma_wait3A_211 = arith.constant 1 : i32
      %dma_wait3A_212 = arith.constant 0 : i32
      %dma_wait3A_213 = arith.constant 0 : i32
      %dma_wait3A_214 = tpu.memref_slice %arg6[%dma_wait3A_211, %dma_wait3A_212, %dma_wait3A_213] : memref<4x100x64xf32, #tpu.memory_space<vmem>> -> memref<1x100x64xf32, #tpu.memory_space<vmem>>
      %dma_wait3A_215 = tpu.memref_squeeze %dma_wait3A_214 : memref<1x100x64xf32, #tpu.memory_space<vmem>> -> memref<100x64xf32, #tpu.memory_space<vmem>>
      %dma_wait3A_216 = arith.constant 0 : i32
      %dma_wait3A_217 = tpu.memref_slice %arg5[%dma_wait3A_210, %dma_wait3A_216] : memref<256x100xi32, #tpu.memory_space<vmem>> -> memref<1x100xi32, #tpu.memory_space<vmem>>
      %dma_wait3A_218 = tpu.memref_squeeze %dma_wait3A_217 : memref<1x100xi32, #tpu.memory_space<vmem>> -> memref<100xi32, #tpu.memory_space<vmem>>
      %dma_wait3A_219 = arith.constant 0 : i32
      %dma_wait3A_220 = arith.constant 0 : i32
      %dma_wait3A_221 = tpu.memref_slice %arg3[%dma_wait3A_219, %dma_wait3A_220] : memref<1000000x64xf32, #tpu.memory_space<hbm>> -> memref<1000000x64xf32, #tpu.memory_space<hbm>>
      tpu.wait_indirect_dma semaphore(%arg8 : memref<!tpu.dma_semaphore, #tpu.memory_space<semaphore_mem>>) src(%dma_wait3A_221 : memref<1000000x64xf32, #tpu.memory_space<hbm>>) dst(%dma_wait3A_215 : memref<100x64xf32, #tpu.memory_space<vmem>>)
      %scan3A_222 = arith.constant 0 : i32
      %scan3A_223 = arith.constant 0 : i32
      %scan3A_224 = arith.constant 100 : i32
      %scan3A_225 = arith.addi %scan3A_223, %scan3A_224 : i32
      %scan3A_226 = arith.constant 2 : i32
      %scan3A_227 = scf.for %scan3A_489 = %scan3A_223 to %scan3A_225 step %scan3A_226 iter_args(%scan3A_490 = %scan3A_222) -> (i32)  : i32 {
        %get3A = arith.constant 1 : i32
        %get3A_491 = arith.constant 0 : i32
        %get3A_492 = tpu.memref_slice %arg6[%get3A, %scan3A_489, %get3A_491] : memref<4x100x64xf32, #tpu.memory_space<vmem>> -> memref<1x1x64xf32, #tpu.memory_space<vmem>>
        %get3A_493 = tpu.memref_squeeze %get3A_492 : memref<1x1x64xf32, #tpu.memory_space<vmem>> -> memref<64xf32, #tpu.memory_space<vmem>>
        %get3A_494 = arith.constant 0 : index
        %get3A_495 = tpu.vector_load %get3A_493[%get3A_494] {strides = array<i32>} : memref<64xf32, #tpu.memory_space<vmem>>, vector<16xf32>,
        %get3A_496 = vector.shape_cast %get3A_495 : vector<16xf32> to vector<16xf32>
        %mul3A_497 = vector.broadcast %scan3A : f32 to vector<16xf32>
        %mul3A_498 = arith.mulf %get3A_496, %mul3A_497 : vector<16xf32>
        %swap3A = arith.constant 1 : i32
        %swap3A_499 = arith.constant 0 : i32
        %swap3A_500 = tpu.memref_slice %arg6[%swap3A, %scan3A_489, %swap3A_499] : memref<4x100x64xf32, #tpu.memory_space<vmem>> -> memref<1x1x64xf32, #tpu.memory_space<vmem>>
        %swap3A_501 = tpu.memref_squeeze %swap3A_500 : memref<1x1x64xf32, #tpu.memory_space<vmem>> -> memref<64xf32, #tpu.memory_space<vmem>>
        %swap3A_502 = arith.constant 0 : index
        %swap3A_503 = tpu.vector_load %swap3A_501[%swap3A_502] {strides = array<i32>} : memref<64xf32, #tpu.memory_space<vmem>>, vector<16xf32>,
        %swap3A_504 = vector.shape_cast %swap3A_503 : vector<16xf32> to vector<16xf32>
        %swap3A_505 = vector.shape_cast %mul3A_498 : vector<16xf32> to vector<16xf32>
        tpu.vector_store %swap3A_501[%swap3A_502], %swap3A_505 {strides = array<i32>} : memref<64xf32, #tpu.memory_space<vmem>>, vector<16xf32>,
        %get3A_506 = arith.constant 1 : i32
        %get3A_507 = arith.constant 0 : i32
        %get3A_508 = tpu.memref_slice %arg6[%get3A_506, %scan3A_489, %get3A_507] : memref<4x100x64xf32, #tpu.memory_space<vmem>> -> memref<1x1x64xf32, #tpu.memory_space<vmem>>
        %get3A_509 = tpu.memref_squeeze %get3A_508 : memref<1x1x64xf32, #tpu.memory_space<vmem>> -> memref<64xf32, #tpu.memory_space<vmem>>
        %get3A_510 = arith.constant 16 : index
        %get3A_511 = tpu.vector_load %get3A_509[%get3A_510] {strides = array<i32>} : memref<64xf32, #tpu.memory_space<vmem>>, vector<16xf32>,
        %get3A_512 = vector.shape_cast %get3A_511 : vector<16xf32> to vector<16xf32>
        %mul3A_513 = vector.broadcast %scan3A : f32 to vector<16xf32>
        %mul3A_514 = arith.mulf %get3A_512, %mul3A_513 : vector<16xf32>
        %swap3A_515 = arith.constant 1 : i32
        %swap3A_516 = arith.constant 0 : i32
        %swap3A_517 = tpu.memref_slice %arg6[%swap3A_515, %scan3A_489, %swap3A_516] : memref<4x100x64xf32, #tpu.memory_space<vmem>> -> memref<1x1x64xf32, #tpu.memory_space<vmem>>
        %swap3A_518 = tpu.memref_squeeze %swap3A_517 : memref<1x1x64xf32, #tpu.memory_space<vmem>> -> memref<64xf32, #tpu.memory_space<vmem>>
        %swap3A_519 = arith.constant 16 : index
        %swap3A_520 = tpu.vector_load %swap3A_518[%swap3A_519] {strides = array<i32>} : memref<64xf32, #tpu.memory_space<vmem>>, vector<16xf32>,
        %swap3A_521 = vector.shape_cast %swap3A_520 : vector<16xf32> to vector<16xf32>
        %swap3A_522 = vector.shape_cast %mul3A_514 : vector<16xf32> to vector<16xf32>
        tpu.vector_store %swap3A_518[%swap3A_519], %swap3A_522 {strides = array<i32>} : memref<64xf32, #tpu.memory_space<vmem>>, vector<16xf32>,
        %get3A_523 = arith.constant 1 : i32
        %get3A_524 = arith.constant 0 : i32
        %get3A_525 = tpu.memref_slice %arg6[%get3A_523, %scan3A_489, %get3A_524] : memref<4x100x64xf32, #tpu.memory_space<vmem>> -> memref<1x1x64xf32, #tpu.memory_space<vmem>>
        %get3A_526 = tpu.memref_squeeze %get3A_525 : memref<1x1x64xf32, #tpu.memory_space<vmem>> -> memref<64xf32, #tpu.memory_space<vmem>>
        %get3A_527 = arith.constant 32 : index
        %get3A_528 = tpu.vector_load %get3A_526[%get3A_527] {strides = array<i32>} : memref<64xf32, #tpu.memory_space<vmem>>, vector<16xf32>,
        %get3A_529 = vector.shape_cast %get3A_528 : vector<16xf32> to vector<16xf32>
        %mul3A_530 = vector.broadcast %scan3A : f32 to vector<16xf32>
        %mul3A_531 = arith.mulf %get3A_529, %mul3A_530 : vector<16xf32>
        %swap3A_532 = arith.constant 1 : i32
        %swap3A_533 = arith.constant 0 : i32
        %swap3A_534 = tpu.memref_slice %arg6[%swap3A_532, %scan3A_489, %swap3A_533] : memref<4x100x64xf32, #tpu.memory_space<vmem>> -> memref<1x1x64xf32, #tpu.memory_space<vmem>>
        %swap3A_535 = tpu.memref_squeeze %swap3A_534 : memref<1x1x64xf32, #tpu.memory_space<vmem>> -> memref<64xf32, #tpu.memory_space<vmem>>
        %swap3A_536 = arith.constant 32 : index
        %swap3A_537 = tpu.vector_load %swap3A_535[%swap3A_536] {strides = array<i32>} : memref<64xf32, #tpu.memory_space<vmem>>, vector<16xf32>,
        %swap3A_538 = vector.shape_cast %swap3A_537 : vector<16xf32> to vector<16xf32>
        %swap3A_539 = vector.shape_cast %mul3A_531 : vector<16xf32> to vector<16xf32>
        tpu.vector_store %swap3A_535[%swap3A_536], %swap3A_539 {strides = array<i32>} : memref<64xf32, #tpu.memory_space<vmem>>, vector<16xf32>,
        %get3A_540 = arith.constant 1 : i32
        %get3A_541 = arith.constant 0 : i32
        %get3A_542 = tpu.memref_slice %arg6[%get3A_540, %scan3A_489, %get3A_541] : memref<4x100x64xf32, #tpu.memory_space<vmem>> -> memref<1x1x64xf32, #tpu.memory_space<vmem>>
        %get3A_543 = tpu.memref_squeeze %get3A_542 : memref<1x1x64xf32, #tpu.memory_space<vmem>> -> memref<64xf32, #tpu.memory_space<vmem>>
        %get3A_544 = arith.constant 48 : index
        %get3A_545 = tpu.vector_load %get3A_543[%get3A_544] {strides = array<i32>} : memref<64xf32, #tpu.memory_space<vmem>>, vector<16xf32>,
        %get3A_546 = vector.shape_cast %get3A_545 : vector<16xf32> to vector<16xf32>
        %mul3A_547 = vector.broadcast %scan3A : f32 to vector<16xf32>
        %mul3A_548 = arith.mulf %get3A_546, %mul3A_547 : vector<16xf32>
        %swap3A_549 = arith.constant 1 : i32
        %swap3A_550 = arith.constant 0 : i32
        %swap3A_551 = tpu.memref_slice %arg6[%swap3A_549, %scan3A_489, %swap3A_550] : memref<4x100x64xf32, #tpu.memory_space<vmem>> -> memref<1x1x64xf32, #tpu.memory_space<vmem>>
        %swap3A_552 = tpu.memref_squeeze %swap3A_551 : memref<1x1x64xf32, #tpu.memory_space<vmem>> -> memref<64xf32, #tpu.memory_space<vmem>>
        %swap3A_553 = arith.constant 48 : index
        %swap3A_554 = tpu.vector_load %swap3A_552[%swap3A_553] {strides = array<i32>} : memref<64xf32, #tpu.memory_space<vmem>>, vector<16xf32>,
        %swap3A_555 = vector.shape_cast %swap3A_554 : vector<16xf32> to vector<16xf32>
        %swap3A_556 = vector.shape_cast %mul3A_548 : vector<16xf32> to vector<16xf32>
        tpu.vector_store %swap3A_552[%swap3A_553], %swap3A_556 {strides = array<i32>} : memref<64xf32, #tpu.memory_space<vmem>>, vector<16xf32>,
        %scan3A_557 = arith.constant 0 : i32
        %scan3A_558 = arith.constant 1 : i32
        %scan3A_559 = arith.addi %scan3A_489, %scan3A_558 : i32
        %get3A_560 = arith.constant 1 : i32
        %get3A_561 = arith.constant 0 : i32
        %get3A_562 = tpu.memref_slice %arg6[%get3A_560, %scan3A_559, %get3A_561] : memref<4x100x64xf32, #tpu.memory_space<vmem>> -> memref<1x1x64xf32, #tpu.memory_space<vmem>>
        %get3A_563 = tpu.memref_squeeze %get3A_562 : memref<1x1x64xf32, #tpu.memory_space<vmem>> -> memref<64xf32, #tpu.memory_space<vmem>>
        %get3A_564 = arith.constant 0 : index
        %get3A_565 = tpu.vector_load %get3A_563[%get3A_564] {strides = array<i32>} : memref<64xf32, #tpu.memory_space<vmem>>, vector<16xf32>,
        %get3A_566 = vector.shape_cast %get3A_565 : vector<16xf32> to vector<16xf32>
        %mul3A_567 = vector.broadcast %scan3A : f32 to vector<16xf32>
        %mul3A_568 = arith.mulf %get3A_566, %mul3A_567 : vector<16xf32>
        %swap3A_569 = arith.constant 1 : i32
        %swap3A_570 = arith.constant 0 : i32
        %swap3A_571 = tpu.memref_slice %arg6[%swap3A_569, %scan3A_559, %swap3A_570] : memref<4x100x64xf32, #tpu.memory_space<vmem>> -> memref<1x1x64xf32, #tpu.memory_space<vmem>>
        %swap3A_572 = tpu.memref_squeeze %swap3A_571 : memref<1x1x64xf32, #tpu.memory_space<vmem>> -> memref<64xf32, #tpu.memory_space<vmem>>
        %swap3A_573 = arith.constant 0 : index
        %swap3A_574 = tpu.vector_load %swap3A_572[%swap3A_573] {strides = array<i32>} : memref<64xf32, #tpu.memory_space<vmem>>, vector<16xf32>,
        %swap3A_575 = vector.shape_cast %swap3A_574 : vector<16xf32> to vector<16xf32>
        %swap3A_576 = vector.shape_cast %mul3A_568 : vector<16xf32> to vector<16xf32>
        tpu.vector_store %swap3A_572[%swap3A_573], %swap3A_576 {strides = array<i32>} : memref<64xf32, #tpu.memory_space<vmem>>, vector<16xf32>,
        %get3A_577 = arith.constant 1 : i32
        %get3A_578 = arith.constant 0 : i32
        %get3A_579 = tpu.memref_slice %arg6[%get3A_577, %scan3A_559, %get3A_578] : memref<4x100x64xf32, #tpu.memory_space<vmem>> -> memref<1x1x64xf32, #tpu.memory_space<vmem>>
        %get3A_580 = tpu.memref_squeeze %get3A_579 : memref<1x1x64xf32, #tpu.memory_space<vmem>> -> memref<64xf32, #tpu.memory_space<vmem>>
        %get3A_581 = arith.constant 16 : index
        %get3A_582 = tpu.vector_load %get3A_580[%get3A_581] {strides = array<i32>} : memref<64xf32, #tpu.memory_space<vmem>>, vector<16xf32>,
        %get3A_583 = vector.shape_cast %get3A_582 : vector<16xf32> to vector<16xf32>
        %mul3A_584 = vector.broadcast %scan3A : f32 to vector<16xf32>
        %mul3A_585 = arith.mulf %get3A_583, %mul3A_584 : vector<16xf32>
        %swap3A_586 = arith.constant 1 : i32
        %swap3A_587 = arith.constant 0 : i32
        %swap3A_588 = tpu.memref_slice %arg6[%swap3A_586, %scan3A_559, %swap3A_587] : memref<4x100x64xf32, #tpu.memory_space<vmem>> -> memref<1x1x64xf32, #tpu.memory_space<vmem>>
        %swap3A_589 = tpu.memref_squeeze %swap3A_588 : memref<1x1x64xf32, #tpu.memory_space<vmem>> -> memref<64xf32, #tpu.memory_space<vmem>>
        %swap3A_590 = arith.constant 16 : index
        %swap3A_591 = tpu.vector_load %swap3A_589[%swap3A_590] {strides = array<i32>} : memref<64xf32, #tpu.memory_space<vmem>>, vector<16xf32>,
        %swap3A_592 = vector.shape_cast %swap3A_591 : vector<16xf32> to vector<16xf32>
        %swap3A_593 = vector.shape_cast %mul3A_585 : vector<16xf32> to vector<16xf32>
        tpu.vector_store %swap3A_589[%swap3A_590], %swap3A_593 {strides = array<i32>} : memref<64xf32, #tpu.memory_space<vmem>>, vector<16xf32>,
        %get3A_594 = arith.constant 1 : i32
        %get3A_595 = arith.constant 0 : i32
        %get3A_596 = tpu.memref_slice %arg6[%get3A_594, %scan3A_559, %get3A_595] : memref<4x100x64xf32, #tpu.memory_space<vmem>> -> memref<1x1x64xf32, #tpu.memory_space<vmem>>
        %get3A_597 = tpu.memref_squeeze %get3A_596 : memref<1x1x64xf32, #tpu.memory_space<vmem>> -> memref<64xf32, #tpu.memory_space<vmem>>
        %get3A_598 = arith.constant 32 : index
        %get3A_599 = tpu.vector_load %get3A_597[%get3A_598] {strides = array<i32>} : memref<64xf32, #tpu.memory_space<vmem>>, vector<16xf32>,
        %get3A_600 = vector.shape_cast %get3A_599 : vector<16xf32> to vector<16xf32>
        %mul3A_601 = vector.broadcast %scan3A : f32 to vector<16xf32>
        %mul3A_602 = arith.mulf %get3A_600, %mul3A_601 : vector<16xf32>
        %swap3A_603 = arith.constant 1 : i32
        %swap3A_604 = arith.constant 0 : i32
        %swap3A_605 = tpu.memref_slice %arg6[%swap3A_603, %scan3A_559, %swap3A_604] : memref<4x100x64xf32, #tpu.memory_space<vmem>> -> memref<1x1x64xf32, #tpu.memory_space<vmem>>
        %swap3A_606 = tpu.memref_squeeze %swap3A_605 : memref<1x1x64xf32, #tpu.memory_space<vmem>> -> memref<64xf32, #tpu.memory_space<vmem>>
        %swap3A_607 = arith.constant 32 : index
        %swap3A_608 = tpu.vector_load %swap3A_606[%swap3A_607] {strides = array<i32>} : memref<64xf32, #tpu.memory_space<vmem>>, vector<16xf32>,
        %swap3A_609 = vector.shape_cast %swap3A_608 : vector<16xf32> to vector<16xf32>
        %swap3A_610 = vector.shape_cast %mul3A_602 : vector<16xf32> to vector<16xf32>
        tpu.vector_store %swap3A_606[%swap3A_607], %swap3A_610 {strides = array<i32>} : memref<64xf32, #tpu.memory_space<vmem>>, vector<16xf32>,
        %get3A_611 = arith.constant 1 : i32
        %get3A_612 = arith.constant 0 : i32
        %get3A_613 = tpu.memref_slice %arg6[%get3A_611, %scan3A_559, %get3A_612] : memref<4x100x64xf32, #tpu.memory_space<vmem>> -> memref<1x1x64xf32, #tpu.memory_space<vmem>>
        %get3A_614 = tpu.memref_squeeze %get3A_613 : memref<1x1x64xf32, #tpu.memory_space<vmem>> -> memref<64xf32, #tpu.memory_space<vmem>>
        %get3A_615 = arith.constant 48 : index
        %get3A_616 = tpu.vector_load %get3A_614[%get3A_615] {strides = array<i32>} : memref<64xf32, #tpu.memory_space<vmem>>, vector<16xf32>,
        %get3A_617 = vector.shape_cast %get3A_616 : vector<16xf32> to vector<16xf32>
        %mul3A_618 = vector.broadcast %scan3A : f32 to vector<16xf32>
        %mul3A_619 = arith.mulf %get3A_617, %mul3A_618 : vector<16xf32>
        %swap3A_620 = arith.constant 1 : i32
        %swap3A_621 = arith.constant 0 : i32
        %swap3A_622 = tpu.memref_slice %arg6[%swap3A_620, %scan3A_559, %swap3A_621] : memref<4x100x64xf32, #tpu.memory_space<vmem>> -> memref<1x1x64xf32, #tpu.memory_space<vmem>>
        %swap3A_623 = tpu.memref_squeeze %swap3A_622 : memref<1x1x64xf32, #tpu.memory_space<vmem>> -> memref<64xf32, #tpu.memory_space<vmem>>
        %swap3A_624 = arith.constant 48 : index
        %swap3A_625 = tpu.vector_load %swap3A_623[%swap3A_624] {strides = array<i32>} : memref<64xf32, #tpu.memory_space<vmem>>, vector<16xf32>,
        %swap3A_626 = vector.shape_cast %swap3A_625 : vector<16xf32> to vector<16xf32>
        %swap3A_627 = vector.shape_cast %mul3A_619 : vector<16xf32> to vector<16xf32>
        tpu.vector_store %swap3A_623[%swap3A_624], %swap3A_627 {strides = array<i32>} : memref<64xf32, #tpu.memory_space<vmem>>, vector<16xf32>,
        %scan3A_628 = arith.constant 0 : i32
        scf.yield %scan3A_628 : i32
      }
      %scan3A_228 = arith.constant 100 : i32
      %add3A_229 = arith.addi %mul3A_2, %add3A_191 : i32
      %mul3A_230 = arith.constant 2 : i32
      %mul3A_231 = arith.muli %add3A_229, %mul3A_230 : i32
      %add3A_232 = arith.constant 0 : i32
      %add3A_233 = arith.addi %mul3A_231, %add3A_232 : i32
      %dma_start3A_234 = arith.constant 1 : i32
      %dma_start3A_235 = arith.constant 0 : i32
      %dma_start3A_236 = arith.constant 0 : i32
      %dma_start3A_237 = tpu.memref_slice %arg6[%dma_start3A_234, %dma_start3A_235, %dma_start3A_236] : memref<4x100x64xf32, #tpu.memory_space<vmem>> -> memref<1x50x64xf32, #tpu.memory_space<vmem>>
      %dma_start3A_238 = tpu.memref_squeeze %dma_start3A_237 : memref<1x50x64xf32, #tpu.memory_space<vmem>> -> memref<50x64xf32, #tpu.memory_space<vmem>>
      %dma_start3A_239 = arith.constant 0 : i32
      %dma_start3A_240 = arith.constant 0 : i32
      %dma_start3A_241 = tpu.memref_slice %arg4[%add3A_233, %dma_start3A_239, %dma_start3A_240] : memref<16384x56x128xf32, #tpu.memory_space<hbm>> -> memref<1x50x64xf32, #tpu.memory_space<hbm>>
      %dma_start3A_242 = tpu.memref_squeeze %dma_start3A_241 : memref<1x50x64xf32, #tpu.memory_space<hbm>> -> memref<50x64xf32, #tpu.memory_space<hbm>>
      %dma_start3A_243 = arith.constant 0 : i32
      %dma_start3A_244 = arith.constant 0 : i32
      %dma_start3A_245 = tpu.memref_slice %arg4[%add3A_233, %dma_start3A_243, %dma_start3A_244] : memref<16384x56x128xf32, #tpu.memory_space<hbm>> -> memref<1x50x64xf32, #tpu.memory_space<hbm>>
      %dma_start3A_246 = tpu.memref_squeeze %dma_start3A_245 : memref<1x50x64xf32, #tpu.memory_space<hbm>> -> memref<50x64xf32, #tpu.memory_space<hbm>>
      %dma_start3A_247 = arith.constant 0 : i32
      %dma_start3A_248 = arith.constant 0 : i32
      %dma_start3A_249 = tpu.memref_slice %arg6[%dma_start3A_234, %dma_start3A_247, %dma_start3A_248] : memref<4x100x64xf32, #tpu.memory_space<vmem>> -> memref<1x50x64xf32, #tpu.memory_space<vmem>>
      %dma_start3A_250 = tpu.memref_squeeze %dma_start3A_249 : memref<1x50x64xf32, #tpu.memory_space<vmem>> -> memref<50x64xf32, #tpu.memory_space<vmem>>
      tpu.enqueue_dma source(%dma_start3A_250 : memref<50x64xf32, #tpu.memory_space<vmem>>) target(%dma_start3A_246 : memref<50x64xf32, #tpu.memory_space<hbm>>) target_semaphore(%arg12 : memref<!tpu.dma_semaphore, #tpu.memory_space<semaphore_mem>>)
      %add3A_251 = arith.addi %mul3A_2, %add3A_191 : i32
      %mul3A_252 = arith.constant 2 : i32
      %mul3A_253 = arith.muli %add3A_251, %mul3A_252 : i32
      %add3A_254 = arith.constant 1 : i32
      %add3A_255 = arith.addi %mul3A_253, %add3A_254 : i32
      %dma_start3A_256 = arith.constant 1 : i32
      %dma_start3A_257 = arith.constant 50 : i32
      %dma_start3A_258 = arith.constant 0 : i32
      %dma_start3A_259 = tpu.memref_slice %arg6[%dma_start3A_256, %dma_start3A_257, %dma_start3A_258] : memref<4x100x64xf32, #tpu.memory_space<vmem>> -> memref<1x50x64xf32, #tpu.memory_space<vmem>>
      %dma_start3A_260 = tpu.memref_squeeze %dma_start3A_259 : memref<1x50x64xf32, #tpu.memory_space<vmem>> -> memref<50x64xf32, #tpu.memory_space<vmem>>
      %dma_start3A_261 = arith.constant 0 : i32
      %dma_start3A_262 = arith.constant 0 : i32
      %dma_start3A_263 = tpu.memref_slice %arg4[%add3A_255, %dma_start3A_261, %dma_start3A_262] : memref<16384x56x128xf32, #tpu.memory_space<hbm>> -> memref<1x50x64xf32, #tpu.memory_space<hbm>>
      %dma_start3A_264 = tpu.memref_squeeze %dma_start3A_263 : memref<1x50x64xf32, #tpu.memory_space<hbm>> -> memref<50x64xf32, #tpu.memory_space<hbm>>
      %dma_start3A_265 = arith.constant 0 : i32
      %dma_start3A_266 = arith.constant 0 : i32
      %dma_start3A_267 = tpu.memref_slice %arg4[%add3A_255, %dma_start3A_265, %dma_start3A_266] : memref<16384x56x128xf32, #tpu.memory_space<hbm>> -> memref<1x50x64xf32, #tpu.memory_space<hbm>>
      %dma_start3A_268 = tpu.memref_squeeze %dma_start3A_267 : memref<1x50x64xf32, #tpu.memory_space<hbm>> -> memref<50x64xf32, #tpu.memory_space<hbm>>
      %dma_start3A_269 = arith.constant 50 : i32
      %dma_start3A_270 = arith.constant 0 : i32
      %dma_start3A_271 = tpu.memref_slice %arg6[%dma_start3A_256, %dma_start3A_269, %dma_start3A_270] : memref<4x100x64xf32, #tpu.memory_space<vmem>> -> memref<1x50x64xf32, #tpu.memory_space<vmem>>
      %dma_start3A_272 = tpu.memref_squeeze %dma_start3A_271 : memref<1x50x64xf32, #tpu.memory_space<vmem>> -> memref<50x64xf32, #tpu.memory_space<vmem>>
      tpu.enqueue_dma source(%dma_start3A_272 : memref<50x64xf32, #tpu.memory_space<vmem>>) target(%dma_start3A_268 : memref<50x64xf32, #tpu.memory_space<hbm>>) target_semaphore(%arg12 : memref<!tpu.dma_semaphore, #tpu.memory_space<semaphore_mem>>)
      %mul3A_273 = arith.constant 4 : i32
      %mul3A_274 = arith.muli %scan3A_104, %mul3A_273 : i32
      %add3A_275 = arith.constant 2 : i32
      %add3A_276 = arith.addi %mul3A_274, %add3A_275 : i32
      %dma_wait3A_277 = arith.constant 0 : i32
      %dma_wait3A_278 = arith.constant 0 : i32
      %dma_wait3A_279 = arith.constant 0 : i32
      %dma_wait3A_280 = arith.constant 0 : i32
      %dma_wait3A_281 = tpu.memref_slice %arg6[%dma_wait3A_277, %dma_wait3A_279, %dma_wait3A_280] : memref<4x100x64xf32, #tpu.memory_space<vmem>> -> memref<1x50x64xf32, #tpu.memory_space<vmem>>
      %dma_wait3A_282 = tpu.memref_squeeze %dma_wait3A_281 : memref<1x50x64xf32, #tpu.memory_space<vmem>> -> memref<50x64xf32, #tpu.memory_space<vmem>>
      %dma_wait3A_283 = arith.constant 0 : i32
      %dma_wait3A_284 = arith.constant 0 : i32
      %dma_wait3A_285 = tpu.memref_slice %arg4[%dma_wait3A_278, %dma_wait3A_283, %dma_wait3A_284] : memref<16384x56x128xf32, #tpu.memory_space<hbm>> -> memref<1x50x64xf32, #tpu.memory_space<hbm>>
      %dma_wait3A_286 = tpu.memref_squeeze %dma_wait3A_285 : memref<1x50x64xf32, #tpu.memory_space<hbm>> -> memref<50x64xf32, #tpu.memory_space<hbm>>
      %dma_wait3A_287 = arith.constant 0 : i32
      %dma_wait3A_288 = arith.constant 0 : i32
      %dma_wait3A_289 = tpu.memref_slice %arg4[%dma_wait3A_278, %dma_wait3A_287, %dma_wait3A_288] : memref<16384x56x128xf32, #tpu.memory_space<hbm>> -> memref<1x50x64xf32, #tpu.memory_space<hbm>>
      %dma_wait3A_290 = tpu.memref_squeeze %dma_wait3A_289 : memref<1x50x64xf32, #tpu.memory_space<hbm>> -> memref<50x64xf32, #tpu.memory_space<hbm>>
      %dma_wait3A_291 = arith.constant 0 : i32
      %dma_wait3A_292 = arith.constant 0 : i32
      %dma_wait3A_293 = tpu.memref_slice %arg6[%dma_wait3A_277, %dma_wait3A_291, %dma_wait3A_292] : memref<4x100x64xf32, #tpu.memory_space<vmem>> -> memref<1x50x64xf32, #tpu.memory_space<vmem>>
      %dma_wait3A_294 = tpu.memref_squeeze %dma_wait3A_293 : memref<1x50x64xf32, #tpu.memory_space<vmem>> -> memref<50x64xf32, #tpu.memory_space<vmem>>
      tpu.wait_dma2 semaphore(%arg11 : memref<!tpu.dma_semaphore, #tpu.memory_space<semaphore_mem>>) src(%dma_wait3A_294 : memref<50x64xf32, #tpu.memory_space<vmem>>) dst(%dma_wait3A_290 : memref<50x64xf32, #tpu.memory_space<hbm>>)
      %dma_wait3A_295 = arith.constant 0 : i32
      %dma_wait3A_296 = arith.constant 0 : i32
      %dma_wait3A_297 = arith.constant 50 : i32
      %dma_wait3A_298 = arith.constant 0 : i32
      %dma_wait3A_299 = tpu.memref_slice %arg6[%dma_wait3A_295, %dma_wait3A_297, %dma_wait3A_298] : memref<4x100x64xf32, #tpu.memory_space<vmem>> -> memref<1x50x64xf32, #tpu.memory_space<vmem>>
      %dma_wait3A_300 = tpu.memref_squeeze %dma_wait3A_299 : memref<1x50x64xf32, #tpu.memory_space<vmem>> -> memref<50x64xf32, #tpu.memory_space<vmem>>
      %dma_wait3A_301 = arith.constant 0 : i32
      %dma_wait3A_302 = arith.constant 0 : i32
      %dma_wait3A_303 = tpu.memref_slice %arg4[%dma_wait3A_296, %dma_wait3A_301, %dma_wait3A_302] : memref<16384x56x128xf32, #tpu.memory_space<hbm>> -> memref<1x50x64xf32, #tpu.memory_space<hbm>>
      %dma_wait3A_304 = tpu.memref_squeeze %dma_wait3A_303 : memref<1x50x64xf32, #tpu.memory_space<hbm>> -> memref<50x64xf32, #tpu.memory_space<hbm>>
      %dma_wait3A_305 = arith.constant 0 : i32
      %dma_wait3A_306 = arith.constant 0 : i32
      %dma_wait3A_307 = tpu.memref_slice %arg4[%dma_wait3A_296, %dma_wait3A_305, %dma_wait3A_306] : memref<16384x56x128xf32, #tpu.memory_space<hbm>> -> memref<1x50x64xf32, #tpu.memory_space<hbm>>
      %dma_wait3A_308 = tpu.memref_squeeze %dma_wait3A_307 : memref<1x50x64xf32, #tpu.memory_space<hbm>> -> memref<50x64xf32, #tpu.memory_space<hbm>>
      %dma_wait3A_309 = arith.constant 50 : i32
      %dma_wait3A_310 = arith.constant 0 : i32
      %dma_wait3A_311 = tpu.memref_slice %arg6[%dma_wait3A_295, %dma_wait3A_309, %dma_wait3A_310] : memref<4x100x64xf32, #tpu.memory_space<vmem>> -> memref<1x50x64xf32, #tpu.memory_space<vmem>>
      %dma_wait3A_312 = tpu.memref_squeeze %dma_wait3A_311 : memref<1x50x64xf32, #tpu.memory_space<vmem>> -> memref<50x64xf32, #tpu.memory_space<vmem>>
      tpu.wait_dma2 semaphore(%arg11 : memref<!tpu.dma_semaphore, #tpu.memory_space<semaphore_mem>>) src(%dma_wait3A_312 : memref<50x64xf32, #tpu.memory_space<vmem>>) dst(%dma_wait3A_308 : memref<50x64xf32, #tpu.memory_space<hbm>>)
      %lt3A = arith.constant 63 : i32
      %lt3A_313 = arith.cmpi slt, %scan3A_104, %lt3A : i32
      %convert_element_type3A_314 = arith.extui %lt3A_313 : i1 to i32
      %cond3A_315 = arith.constant 0 : i32
      %cond3A_316 = arith.cmpi ne, %convert_element_type3A_314, %cond3A_315 : i32
      scf.if %cond3A_316 {
        %add3A_489 = arith.constant 2 : i32
        %add3A_490 = arith.addi %add3A_276, %add3A_489 : i32
        %dma_start3A_491 = arith.constant 0 : i32
        %dma_start3A_492 = arith.constant 0 : i32
        %dma_start3A_493 = arith.constant 0 : i32
        %dma_start3A_494 = tpu.memref_slice %arg6[%dma_start3A_491, %dma_start3A_492, %dma_start3A_493] : memref<4x100x64xf32, #tpu.memory_space<vmem>> -> memref<1x100x64xf32, #tpu.memory_space<vmem>>
        %dma_start3A_495 = tpu.memref_squeeze %dma_start3A_494 : memref<1x100x64xf32, #tpu.memory_space<vmem>> -> memref<100x64xf32, #tpu.memory_space<vmem>>
        %dma_start3A_496 = arith.constant 0 : i32
        %dma_start3A_497 = tpu.memref_slice %arg5[%add3A_490, %dma_start3A_496] : memref<256x100xi32, #tpu.memory_space<vmem>> -> memref<1x100xi32, #tpu.memory_space<vmem>>
        %dma_start3A_498 = tpu.memref_squeeze %dma_start3A_497 : memref<1x100xi32, #tpu.memory_space<vmem>> -> memref<100xi32, #tpu.memory_space<vmem>>
        %dma_start3A_499 = arith.constant 0 : i32
        %dma_start3A_500 = arith.constant 0 : i32
        %dma_start3A_501 = tpu.memref_slice %arg3[%dma_start3A_499, %dma_start3A_500] : memref<1000000x64xf32, #tpu.memory_space<hbm>> -> memref<1000000x64xf32, #tpu.memory_space<hbm>>
        tpu.enqueue_indirect_dma source(%dma_start3A_501 : memref<1000000x64xf32, #tpu.memory_space<hbm>>) target(%dma_start3A_495 : memref<100x64xf32, #tpu.memory_space<vmem>>) offsets(%dma_start3A_498 : memref<100xi32, #tpu.memory_space<vmem>>) semaphore(%arg7 : memref<!tpu.dma_semaphore, #tpu.memory_space<semaphore_mem>>)
      } else {
      }
      %dma_wait3A_317 = arith.constant 0 : i32
      %dma_wait3A_318 = arith.constant 2 : i32
      %dma_wait3A_319 = arith.constant 0 : i32
      %dma_wait3A_320 = arith.constant 0 : i32
      %dma_wait3A_321 = tpu.memref_slice %arg6[%dma_wait3A_318, %dma_wait3A_319, %dma_wait3A_320] : memref<4x100x64xf32, #tpu.memory_space<vmem>> -> memref<1x100x64xf32, #tpu.memory_space<vmem>>
      %dma_wait3A_322 = tpu.memref_squeeze %dma_wait3A_321 : memref<1x100x64xf32, #tpu.memory_space<vmem>> -> memref<100x64xf32, #tpu.memory_space<vmem>>
      %dma_wait3A_323 = arith.constant 0 : i32
      %dma_wait3A_324 = tpu.memref_slice %arg5[%dma_wait3A_317, %dma_wait3A_323] : memref<256x100xi32, #tpu.memory_space<vmem>> -> memref<1x100xi32, #tpu.memory_space<vmem>>
      %dma_wait3A_325 = tpu.memref_squeeze %dma_wait3A_324 : memref<1x100xi32, #tpu.memory_space<vmem>> -> memref<100xi32, #tpu.memory_space<vmem>>
      %dma_wait3A_326 = arith.constant 0 : i32
      %dma_wait3A_327 = arith.constant 0 : i32
      %dma_wait3A_328 = tpu.memref_slice %arg3[%dma_wait3A_326, %dma_wait3A_327] : memref<1000000x64xf32, #tpu.memory_space<hbm>> -> memref<1000000x64xf32, #tpu.memory_space<hbm>>
      tpu.wait_indirect_dma semaphore(%arg9 : memref<!tpu.dma_semaphore, #tpu.memory_space<semaphore_mem>>) src(%dma_wait3A_328 : memref<1000000x64xf32, #tpu.memory_space<hbm>>) dst(%dma_wait3A_322 : memref<100x64xf32, #tpu.memory_space<vmem>>)
      %scan3A_329 = arith.constant 0 : i32
      %scan3A_330 = arith.constant 0 : i32
      %scan3A_331 = arith.constant 100 : i32
      %scan3A_332 = arith.addi %scan3A_330, %scan3A_331 : i32
      %scan3A_333 = arith.constant 2 : i32
      %scan3A_334 = scf.for %scan3A_489 = %scan3A_330 to %scan3A_332 step %scan3A_333 iter_args(%scan3A_490 = %scan3A_329) -> (i32)  : i32 {
        %get3A = arith.constant 2 : i32
        %get3A_491 = arith.constant 0 : i32
        %get3A_492 = tpu.memref_slice %arg6[%get3A, %scan3A_489, %get3A_491] : memref<4x100x64xf32, #tpu.memory_space<vmem>> -> memref<1x1x64xf32, #tpu.memory_space<vmem>>
        %get3A_493 = tpu.memref_squeeze %get3A_492 : memref<1x1x64xf32, #tpu.memory_space<vmem>> -> memref<64xf32, #tpu.memory_space<vmem>>
        %get3A_494 = arith.constant 0 : index
        %get3A_495 = tpu.vector_load %get3A_493[%get3A_494] {strides = array<i32>} : memref<64xf32, #tpu.memory_space<vmem>>, vector<16xf32>,
        %get3A_496 = vector.shape_cast %get3A_495 : vector<16xf32> to vector<16xf32>
        %mul3A_497 = vector.broadcast %scan3A : f32 to vector<16xf32>
        %mul3A_498 = arith.mulf %get3A_496, %mul3A_497 : vector<16xf32>
        %swap3A = arith.constant 2 : i32
        %swap3A_499 = arith.constant 0 : i32
        %swap3A_500 = tpu.memref_slice %arg6[%swap3A, %scan3A_489, %swap3A_499] : memref<4x100x64xf32, #tpu.memory_space<vmem>> -> memref<1x1x64xf32, #tpu.memory_space<vmem>>
        %swap3A_501 = tpu.memref_squeeze %swap3A_500 : memref<1x1x64xf32, #tpu.memory_space<vmem>> -> memref<64xf32, #tpu.memory_space<vmem>>
        %swap3A_502 = arith.constant 0 : index
        %swap3A_503 = tpu.vector_load %swap3A_501[%swap3A_502] {strides = array<i32>} : memref<64xf32, #tpu.memory_space<vmem>>, vector<16xf32>,
        %swap3A_504 = vector.shape_cast %swap3A_503 : vector<16xf32> to vector<16xf32>
        %swap3A_505 = vector.shape_cast %mul3A_498 : vector<16xf32> to vector<16xf32>
        tpu.vector_store %swap3A_501[%swap3A_502], %swap3A_505 {strides = array<i32>} : memref<64xf32, #tpu.memory_space<vmem>>, vector<16xf32>,
        %get3A_506 = arith.constant 2 : i32
        %get3A_507 = arith.constant 0 : i32
        %get3A_508 = tpu.memref_slice %arg6[%get3A_506, %scan3A_489, %get3A_507] : memref<4x100x64xf32, #tpu.memory_space<vmem>> -> memref<1x1x64xf32, #tpu.memory_space<vmem>>
        %get3A_509 = tpu.memref_squeeze %get3A_508 : memref<1x1x64xf32, #tpu.memory_space<vmem>> -> memref<64xf32, #tpu.memory_space<vmem>>
        %get3A_510 = arith.constant 16 : index
        %get3A_511 = tpu.vector_load %get3A_509[%get3A_510] {strides = array<i32>} : memref<64xf32, #tpu.memory_space<vmem>>, vector<16xf32>,
        %get3A_512 = vector.shape_cast %get3A_511 : vector<16xf32> to vector<16xf32>
        %mul3A_513 = vector.broadcast %scan3A : f32 to vector<16xf32>
        %mul3A_514 = arith.mulf %get3A_512, %mul3A_513 : vector<16xf32>
        %swap3A_515 = arith.constant 2 : i32
        %swap3A_516 = arith.constant 0 : i32
        %swap3A_517 = tpu.memref_slice %arg6[%swap3A_515, %scan3A_489, %swap3A_516] : memref<4x100x64xf32, #tpu.memory_space<vmem>> -> memref<1x1x64xf32, #tpu.memory_space<vmem>>
        %swap3A_518 = tpu.memref_squeeze %swap3A_517 : memref<1x1x64xf32, #tpu.memory_space<vmem>> -> memref<64xf32, #tpu.memory_space<vmem>>
        %swap3A_519 = arith.constant 16 : index
        %swap3A_520 = tpu.vector_load %swap3A_518[%swap3A_519] {strides = array<i32>} : memref<64xf32, #tpu.memory_space<vmem>>, vector<16xf32>,
        %swap3A_521 = vector.shape_cast %swap3A_520 : vector<16xf32> to vector<16xf32>
        %swap3A_522 = vector.shape_cast %mul3A_514 : vector<16xf32> to vector<16xf32>
        tpu.vector_store %swap3A_518[%swap3A_519], %swap3A_522 {strides = array<i32>} : memref<64xf32, #tpu.memory_space<vmem>>, vector<16xf32>,
        %get3A_523 = arith.constant 2 : i32
        %get3A_524 = arith.constant 0 : i32
        %get3A_525 = tpu.memref_slice %arg6[%get3A_523, %scan3A_489, %get3A_524] : memref<4x100x64xf32, #tpu.memory_space<vmem>> -> memref<1x1x64xf32, #tpu.memory_space<vmem>>
        %get3A_526 = tpu.memref_squeeze %get3A_525 : memref<1x1x64xf32, #tpu.memory_space<vmem>> -> memref<64xf32, #tpu.memory_space<vmem>>
        %get3A_527 = arith.constant 32 : index
        %get3A_528 = tpu.vector_load %get3A_526[%get3A_527] {strides = array<i32>} : memref<64xf32, #tpu.memory_space<vmem>>, vector<16xf32>,
        %get3A_529 = vector.shape_cast %get3A_528 : vector<16xf32> to vector<16xf32>
        %mul3A_530 = vector.broadcast %scan3A : f32 to vector<16xf32>
        %mul3A_531 = arith.mulf %get3A_529, %mul3A_530 : vector<16xf32>
        %swap3A_532 = arith.constant 2 : i32
        %swap3A_533 = arith.constant 0 : i32
        %swap3A_534 = tpu.memref_slice %arg6[%swap3A_532, %scan3A_489, %swap3A_533] : memref<4x100x64xf32, #tpu.memory_space<vmem>> -> memref<1x1x64xf32, #tpu.memory_space<vmem>>
        %swap3A_535 = tpu.memref_squeeze %swap3A_534 : memref<1x1x64xf32, #tpu.memory_space<vmem>> -> memref<64xf32, #tpu.memory_space<vmem>>
        %swap3A_536 = arith.constant 32 : index
        %swap3A_537 = tpu.vector_load %swap3A_535[%swap3A_536] {strides = array<i32>} : memref<64xf32, #tpu.memory_space<vmem>>, vector<16xf32>,
        %swap3A_538 = vector.shape_cast %swap3A_537 : vector<16xf32> to vector<16xf32>
        %swap3A_539 = vector.shape_cast %mul3A_531 : vector<16xf32> to vector<16xf32>
        tpu.vector_store %swap3A_535[%swap3A_536], %swap3A_539 {strides = array<i32>} : memref<64xf32, #tpu.memory_space<vmem>>, vector<16xf32>,
        %get3A_540 = arith.constant 2 : i32
        %get3A_541 = arith.constant 0 : i32
        %get3A_542 = tpu.memref_slice %arg6[%get3A_540, %scan3A_489, %get3A_541] : memref<4x100x64xf32, #tpu.memory_space<vmem>> -> memref<1x1x64xf32, #tpu.memory_space<vmem>>
        %get3A_543 = tpu.memref_squeeze %get3A_542 : memref<1x1x64xf32, #tpu.memory_space<vmem>> -> memref<64xf32, #tpu.memory_space<vmem>>
        %get3A_544 = arith.constant 48 : index
        %get3A_545 = tpu.vector_load %get3A_543[%get3A_544] {strides = array<i32>} : memref<64xf32, #tpu.memory_space<vmem>>, vector<16xf32>,
        %get3A_546 = vector.shape_cast %get3A_545 : vector<16xf32> to vector<16xf32>
        %mul3A_547 = vector.broadcast %scan3A : f32 to vector<16xf32>
        %mul3A_548 = arith.mulf %get3A_546, %mul3A_547 : vector<16xf32>
        %swap3A_549 = arith.constant 2 : i32
        %swap3A_550 = arith.constant 0 : i32
        %swap3A_551 = tpu.memref_slice %arg6[%swap3A_549, %scan3A_489, %swap3A_550] : memref<4x100x64xf32, #tpu.memory_space<vmem>> -> memref<1x1x64xf32, #tpu.memory_space<vmem>>
        %swap3A_552 = tpu.memref_squeeze %swap3A_551 : memref<1x1x64xf32, #tpu.memory_space<vmem>> -> memref<64xf32, #tpu.memory_space<vmem>>
        %swap3A_553 = arith.constant 48 : index
        %swap3A_554 = tpu.vector_load %swap3A_552[%swap3A_553] {strides = array<i32>} : memref<64xf32, #tpu.memory_space<vmem>>, vector<16xf32>,
        %swap3A_555 = vector.shape_cast %swap3A_554 : vector<16xf32> to vector<16xf32>
        %swap3A_556 = vector.shape_cast %mul3A_548 : vector<16xf32> to vector<16xf32>
        tpu.vector_store %swap3A_552[%swap3A_553], %swap3A_556 {strides = array<i32>} : memref<64xf32, #tpu.memory_space<vmem>>, vector<16xf32>,
        %scan3A_557 = arith.constant 0 : i32
        %scan3A_558 = arith.constant 1 : i32
        %scan3A_559 = arith.addi %scan3A_489, %scan3A_558 : i32
        %get3A_560 = arith.constant 2 : i32
        %get3A_561 = arith.constant 0 : i32
        %get3A_562 = tpu.memref_slice %arg6[%get3A_560, %scan3A_559, %get3A_561] : memref<4x100x64xf32, #tpu.memory_space<vmem>> -> memref<1x1x64xf32, #tpu.memory_space<vmem>>
        %get3A_563 = tpu.memref_squeeze %get3A_562 : memref<1x1x64xf32, #tpu.memory_space<vmem>> -> memref<64xf32, #tpu.memory_space<vmem>>
        %get3A_564 = arith.constant 0 : index
        %get3A_565 = tpu.vector_load %get3A_563[%get3A_564] {strides = array<i32>} : memref<64xf32, #tpu.memory_space<vmem>>, vector<16xf32>,
        %get3A_566 = vector.shape_cast %get3A_565 : vector<16xf32> to vector<16xf32>
        %mul3A_567 = vector.broadcast %scan3A : f32 to vector<16xf32>
        %mul3A_568 = arith.mulf %get3A_566, %mul3A_567 : vector<16xf32>
        %swap3A_569 = arith.constant 2 : i32
        %swap3A_570 = arith.constant 0 : i32
        %swap3A_571 = tpu.memref_slice %arg6[%swap3A_569, %scan3A_559, %swap3A_570] : memref<4x100x64xf32, #tpu.memory_space<vmem>> -> memref<1x1x64xf32, #tpu.memory_space<vmem>>
        %swap3A_572 = tpu.memref_squeeze %swap3A_571 : memref<1x1x64xf32, #tpu.memory_space<vmem>> -> memref<64xf32, #tpu.memory_space<vmem>>
        %swap3A_573 = arith.constant 0 : index
        %swap3A_574 = tpu.vector_load %swap3A_572[%swap3A_573] {strides = array<i32>} : memref<64xf32, #tpu.memory_space<vmem>>, vector<16xf32>,
        %swap3A_575 = vector.shape_cast %swap3A_574 : vector<16xf32> to vector<16xf32>
        %swap3A_576 = vector.shape_cast %mul3A_568 : vector<16xf32> to vector<16xf32>
        tpu.vector_store %swap3A_572[%swap3A_573], %swap3A_576 {strides = array<i32>} : memref<64xf32, #tpu.memory_space<vmem>>, vector<16xf32>,
        %get3A_577 = arith.constant 2 : i32
        %get3A_578 = arith.constant 0 : i32
        %get3A_579 = tpu.memref_slice %arg6[%get3A_577, %scan3A_559, %get3A_578] : memref<4x100x64xf32, #tpu.memory_space<vmem>> -> memref<1x1x64xf32, #tpu.memory_space<vmem>>
        %get3A_580 = tpu.memref_squeeze %get3A_579 : memref<1x1x64xf32, #tpu.memory_space<vmem>> -> memref<64xf32, #tpu.memory_space<vmem>>
        %get3A_581 = arith.constant 16 : index
        %get3A_582 = tpu.vector_load %get3A_580[%get3A_581] {strides = array<i32>} : memref<64xf32, #tpu.memory_space<vmem>>, vector<16xf32>,
        %get3A_583 = vector.shape_cast %get3A_582 : vector<16xf32> to vector<16xf32>
        %mul3A_584 = vector.broadcast %scan3A : f32 to vector<16xf32>
        %mul3A_585 = arith.mulf %get3A_583, %mul3A_584 : vector<16xf32>
        %swap3A_586 = arith.constant 2 : i32
        %swap3A_587 = arith.constant 0 : i32
        %swap3A_588 = tpu.memref_slice %arg6[%swap3A_586, %scan3A_559, %swap3A_587] : memref<4x100x64xf32, #tpu.memory_space<vmem>> -> memref<1x1x64xf32, #tpu.memory_space<vmem>>
        %swap3A_589 = tpu.memref_squeeze %swap3A_588 : memref<1x1x64xf32, #tpu.memory_space<vmem>> -> memref<64xf32, #tpu.memory_space<vmem>>
        %swap3A_590 = arith.constant 16 : index
        %swap3A_591 = tpu.vector_load %swap3A_589[%swap3A_590] {strides = array<i32>} : memref<64xf32, #tpu.memory_space<vmem>>, vector<16xf32>,
        %swap3A_592 = vector.shape_cast %swap3A_591 : vector<16xf32> to vector<16xf32>
        %swap3A_593 = vector.shape_cast %mul3A_585 : vector<16xf32> to vector<16xf32>
        tpu.vector_store %swap3A_589[%swap3A_590], %swap3A_593 {strides = array<i32>} : memref<64xf32, #tpu.memory_space<vmem>>, vector<16xf32>,
        %get3A_594 = arith.constant 2 : i32
        %get3A_595 = arith.constant 0 : i32
        %get3A_596 = tpu.memref_slice %arg6[%get3A_594, %scan3A_559, %get3A_595] : memref<4x100x64xf32, #tpu.memory_space<vmem>> -> memref<1x1x64xf32, #tpu.memory_space<vmem>>
        %get3A_597 = tpu.memref_squeeze %get3A_596 : memref<1x1x64xf32, #tpu.memory_space<vmem>> -> memref<64xf32, #tpu.memory_space<vmem>>
        %get3A_598 = arith.constant 32 : index
        %get3A_599 = tpu.vector_load %get3A_597[%get3A_598] {strides = array<i32>} : memref<64xf32, #tpu.memory_space<vmem>>, vector<16xf32>,
        %get3A_600 = vector.shape_cast %get3A_599 : vector<16xf32> to vector<16xf32>
        %mul3A_601 = vector.broadcast %scan3A : f32 to vector<16xf32>
        %mul3A_602 = arith.mulf %get3A_600, %mul3A_601 : vector<16xf32>
        %swap3A_603 = arith.constant 2 : i32
        %swap3A_604 = arith.constant 0 : i32
        %swap3A_605 = tpu.memref_slice %arg6[%swap3A_603, %scan3A_559, %swap3A_604] : memref<4x100x64xf32, #tpu.memory_space<vmem>> -> memref<1x1x64xf32, #tpu.memory_space<vmem>>
        %swap3A_606 = tpu.memref_squeeze %swap3A_605 : memref<1x1x64xf32, #tpu.memory_space<vmem>> -> memref<64xf32, #tpu.memory_space<vmem>>
        %swap3A_607 = arith.constant 32 : index
        %swap3A_608 = tpu.vector_load %swap3A_606[%swap3A_607] {strides = array<i32>} : memref<64xf32, #tpu.memory_space<vmem>>, vector<16xf32>,
        %swap3A_609 = vector.shape_cast %swap3A_608 : vector<16xf32> to vector<16xf32>
        %swap3A_610 = vector.shape_cast %mul3A_602 : vector<16xf32> to vector<16xf32>
        tpu.vector_store %swap3A_606[%swap3A_607], %swap3A_610 {strides = array<i32>} : memref<64xf32, #tpu.memory_space<vmem>>, vector<16xf32>,
        %get3A_611 = arith.constant 2 : i32
        %get3A_612 = arith.constant 0 : i32
        %get3A_613 = tpu.memref_slice %arg6[%get3A_611, %scan3A_559, %get3A_612] : memref<4x100x64xf32, #tpu.memory_space<vmem>> -> memref<1x1x64xf32, #tpu.memory_space<vmem>>
        %get3A_614 = tpu.memref_squeeze %get3A_613 : memref<1x1x64xf32, #tpu.memory_space<vmem>> -> memref<64xf32, #tpu.memory_space<vmem>>
        %get3A_615 = arith.constant 48 : index
        %get3A_616 = tpu.vector_load %get3A_614[%get3A_615] {strides = array<i32>} : memref<64xf32, #tpu.memory_space<vmem>>, vector<16xf32>,
        %get3A_617 = vector.shape_cast %get3A_616 : vector<16xf32> to vector<16xf32>
        %mul3A_618 = vector.broadcast %scan3A : f32 to vector<16xf32>
        %mul3A_619 = arith.mulf %get3A_617, %mul3A_618 : vector<16xf32>
        %swap3A_620 = arith.constant 2 : i32
        %swap3A_621 = arith.constant 0 : i32
        %swap3A_622 = tpu.memref_slice %arg6[%swap3A_620, %scan3A_559, %swap3A_621] : memref<4x100x64xf32, #tpu.memory_space<vmem>> -> memref<1x1x64xf32, #tpu.memory_space<vmem>>
        %swap3A_623 = tpu.memref_squeeze %swap3A_622 : memref<1x1x64xf32, #tpu.memory_space<vmem>> -> memref<64xf32, #tpu.memory_space<vmem>>
        %swap3A_624 = arith.constant 48 : index
        %swap3A_625 = tpu.vector_load %swap3A_623[%swap3A_624] {strides = array<i32>} : memref<64xf32, #tpu.memory_space<vmem>>, vector<16xf32>,
        %swap3A_626 = vector.shape_cast %swap3A_625 : vector<16xf32> to vector<16xf32>
        %swap3A_627 = vector.shape_cast %mul3A_619 : vector<16xf32> to vector<16xf32>
        tpu.vector_store %swap3A_623[%swap3A_624], %swap3A_627 {strides = array<i32>} : memref<64xf32, #tpu.memory_space<vmem>>, vector<16xf32>,
        %scan3A_628 = arith.constant 0 : i32
        scf.yield %scan3A_628 : i32
      }
      %scan3A_335 = arith.constant 100 : i32
      %add3A_336 = arith.addi %mul3A_2, %add3A_276 : i32
      %mul3A_337 = arith.constant 2 : i32
      %mul3A_338 = arith.muli %add3A_336, %mul3A_337 : i32
      %add3A_339 = arith.constant 0 : i32
      %add3A_340 = arith.addi %mul3A_338, %add3A_339 : i32
      %dma_start3A_341 = arith.constant 2 : i32
      %dma_start3A_342 = arith.constant 0 : i32
      %dma_start3A_343 = arith.constant 0 : i32
      %dma_start3A_344 = tpu.memref_slice %arg6[%dma_start3A_341, %dma_start3A_342, %dma_start3A_343] : memref<4x100x64xf32, #tpu.memory_space<vmem>> -> memref<1x50x64xf32, #tpu.memory_space<vmem>>
      %dma_start3A_345 = tpu.memref_squeeze %dma_start3A_344 : memref<1x50x64xf32, #tpu.memory_space<vmem>> -> memref<50x64xf32, #tpu.memory_space<vmem>>
      %dma_start3A_346 = arith.constant 0 : i32
      %dma_start3A_347 = arith.constant 0 : i32
      %dma_start3A_348 = tpu.memref_slice %arg4[%add3A_340, %dma_start3A_346, %dma_start3A_347] : memref<16384x56x128xf32, #tpu.memory_space<hbm>> -> memref<1x50x64xf32, #tpu.memory_space<hbm>>
      %dma_start3A_349 = tpu.memref_squeeze %dma_start3A_348 : memref<1x50x64xf32, #tpu.memory_space<hbm>> -> memref<50x64xf32, #tpu.memory_space<hbm>>
      %dma_start3A_350 = arith.constant 0 : i32
      %dma_start3A_351 = arith.constant 0 : i32
      %dma_start3A_352 = tpu.memref_slice %arg4[%add3A_340, %dma_start3A_350, %dma_start3A_351] : memref<16384x56x128xf32, #tpu.memory_space<hbm>> -> memref<1x50x64xf32, #tpu.memory_space<hbm>>
      %dma_start3A_353 = tpu.memref_squeeze %dma_start3A_352 : memref<1x50x64xf32, #tpu.memory_space<hbm>> -> memref<50x64xf32, #tpu.memory_space<hbm>>
      %dma_start3A_354 = arith.constant 0 : i32
      %dma_start3A_355 = arith.constant 0 : i32
      %dma_start3A_356 = tpu.memref_slice %arg6[%dma_start3A_341, %dma_start3A_354, %dma_start3A_355] : memref<4x100x64xf32, #tpu.memory_space<vmem>> -> memref<1x50x64xf32, #tpu.memory_space<vmem>>
      %dma_start3A_357 = tpu.memref_squeeze %dma_start3A_356 : memref<1x50x64xf32, #tpu.memory_space<vmem>> -> memref<50x64xf32, #tpu.memory_space<vmem>>
      tpu.enqueue_dma source(%dma_start3A_357 : memref<50x64xf32, #tpu.memory_space<vmem>>) target(%dma_start3A_353 : memref<50x64xf32, #tpu.memory_space<hbm>>) target_semaphore(%arg13 : memref<!tpu.dma_semaphore, #tpu.memory_space<semaphore_mem>>)
      %add3A_358 = arith.addi %mul3A_2, %add3A_276 : i32
      %mul3A_359 = arith.constant 2 : i32
      %mul3A_360 = arith.muli %add3A_358, %mul3A_359 : i32
      %add3A_361 = arith.constant 1 : i32
      %add3A_362 = arith.addi %mul3A_360, %add3A_361 : i32
      %dma_start3A_363 = arith.constant 2 : i32
      %dma_start3A_364 = arith.constant 50 : i32
      %dma_start3A_365 = arith.constant 0 : i32
      %dma_start3A_366 = tpu.memref_slice %arg6[%dma_start3A_363, %dma_start3A_364, %dma_start3A_365] : memref<4x100x64xf32, #tpu.memory_space<vmem>> -> memref<1x50x64xf32, #tpu.memory_space<vmem>>
      %dma_start3A_367 = tpu.memref_squeeze %dma_start3A_366 : memref<1x50x64xf32, #tpu.memory_space<vmem>> -> memref<50x64xf32, #tpu.memory_space<vmem>>
      %dma_start3A_368 = arith.constant 0 : i32
      %dma_start3A_369 = arith.constant 0 : i32
      %dma_start3A_370 = tpu.memref_slice %arg4[%add3A_362, %dma_start3A_368, %dma_start3A_369] : memref<16384x56x128xf32, #tpu.memory_space<hbm>> -> memref<1x50x64xf32, #tpu.memory_space<hbm>>
      %dma_start3A_371 = tpu.memref_squeeze %dma_start3A_370 : memref<1x50x64xf32, #tpu.memory_space<hbm>> -> memref<50x64xf32, #tpu.memory_space<hbm>>
      %dma_start3A_372 = arith.constant 0 : i32
      %dma_start3A_373 = arith.constant 0 : i32
      %dma_start3A_374 = tpu.memref_slice %arg4[%add3A_362, %dma_start3A_372, %dma_start3A_373] : memref<16384x56x128xf32, #tpu.memory_space<hbm>> -> memref<1x50x64xf32, #tpu.memory_space<hbm>>
      %dma_start3A_375 = tpu.memref_squeeze %dma_start3A_374 : memref<1x50x64xf32, #tpu.memory_space<hbm>> -> memref<50x64xf32, #tpu.memory_space<hbm>>
      %dma_start3A_376 = arith.constant 50 : i32
      %dma_start3A_377 = arith.constant 0 : i32
      %dma_start3A_378 = tpu.memref_slice %arg6[%dma_start3A_363, %dma_start3A_376, %dma_start3A_377] : memref<4x100x64xf32, #tpu.memory_space<vmem>> -> memref<1x50x64xf32, #tpu.memory_space<vmem>>
      %dma_start3A_379 = tpu.memref_squeeze %dma_start3A_378 : memref<1x50x64xf32, #tpu.memory_space<vmem>> -> memref<50x64xf32, #tpu.memory_space<vmem>>
      tpu.enqueue_dma source(%dma_start3A_379 : memref<50x64xf32, #tpu.memory_space<vmem>>) target(%dma_start3A_375 : memref<50x64xf32, #tpu.memory_space<hbm>>) target_semaphore(%arg13 : memref<!tpu.dma_semaphore, #tpu.memory_space<semaphore_mem>>)
      %mul3A_380 = arith.constant 4 : i32
      %mul3A_381 = arith.muli %scan3A_104, %mul3A_380 : i32
      %add3A_382 = arith.constant 3 : i32
      %add3A_383 = arith.addi %mul3A_381, %add3A_382 : i32
      %dma_wait3A_384 = arith.constant 1 : i32
      %dma_wait3A_385 = arith.constant 0 : i32
      %dma_wait3A_386 = arith.constant 0 : i32
      %dma_wait3A_387 = arith.constant 0 : i32
      %dma_wait3A_388 = tpu.memref_slice %arg6[%dma_wait3A_384, %dma_wait3A_386, %dma_wait3A_387] : memref<4x100x64xf32, #tpu.memory_space<vmem>> -> memref<1x50x64xf32, #tpu.memory_space<vmem>>
      %dma_wait3A_389 = tpu.memref_squeeze %dma_wait3A_388 : memref<1x50x64xf32, #tpu.memory_space<vmem>> -> memref<50x64xf32, #tpu.memory_space<vmem>>
      %dma_wait3A_390 = arith.constant 0 : i32
      %dma_wait3A_391 = arith.constant 0 : i32
      %dma_wait3A_392 = tpu.memref_slice %arg4[%dma_wait3A_385, %dma_wait3A_390, %dma_wait3A_391] : memref<16384x56x128xf32, #tpu.memory_space<hbm>> -> memref<1x50x64xf32, #tpu.memory_space<hbm>>
      %dma_wait3A_393 = tpu.memref_squeeze %dma_wait3A_392 : memref<1x50x64xf32, #tpu.memory_space<hbm>> -> memref<50x64xf32, #tpu.memory_space<hbm>>
      %dma_wait3A_394 = arith.constant 0 : i32
      %dma_wait3A_395 = arith.constant 0 : i32
      %dma_wait3A_396 = tpu.memref_slice %arg4[%dma_wait3A_385, %dma_wait3A_394, %dma_wait3A_395] : memref<16384x56x128xf32, #tpu.memory_space<hbm>> -> memref<1x50x64xf32, #tpu.memory_space<hbm>>
      %dma_wait3A_397 = tpu.memref_squeeze %dma_wait3A_396 : memref<1x50x64xf32, #tpu.memory_space<hbm>> -> memref<50x64xf32, #tpu.memory_space<hbm>>
      %dma_wait3A_398 = arith.constant 0 : i32
      %dma_wait3A_399 = arith.constant 0 : i32
      %dma_wait3A_400 = tpu.memref_slice %arg6[%dma_wait3A_384, %dma_wait3A_398, %dma_wait3A_399] : memref<4x100x64xf32, #tpu.memory_space<vmem>> -> memref<1x50x64xf32, #tpu.memory_space<vmem>>
      %dma_wait3A_401 = tpu.memref_squeeze %dma_wait3A_400 : memref<1x50x64xf32, #tpu.memory_space<vmem>> -> memref<50x64xf32, #tpu.memory_space<vmem>>
      tpu.wait_dma2 semaphore(%arg12 : memref<!tpu.dma_semaphore, #tpu.memory_space<semaphore_mem>>) src(%dma_wait3A_401 : memref<50x64xf32, #tpu.memory_space<vmem>>) dst(%dma_wait3A_397 : memref<50x64xf32, #tpu.memory_space<hbm>>)
      %dma_wait3A_402 = arith.constant 1 : i32
      %dma_wait3A_403 = arith.constant 0 : i32
      %dma_wait3A_404 = arith.constant 50 : i32
      %dma_wait3A_405 = arith.constant 0 : i32
      %dma_wait3A_406 = tpu.memref_slice %arg6[%dma_wait3A_402, %dma_wait3A_404, %dma_wait3A_405] : memref<4x100x64xf32, #tpu.memory_space<vmem>> -> memref<1x50x64xf32, #tpu.memory_space<vmem>>
      %dma_wait3A_407 = tpu.memref_squeeze %dma_wait3A_406 : memref<1x50x64xf32, #tpu.memory_space<vmem>> -> memref<50x64xf32, #tpu.memory_space<vmem>>
      %dma_wait3A_408 = arith.constant 0 : i32
      %dma_wait3A_409 = arith.constant 0 : i32
      %dma_wait3A_410 = tpu.memref_slice %arg4[%dma_wait3A_403, %dma_wait3A_408, %dma_wait3A_409] : memref<16384x56x128xf32, #tpu.memory_space<hbm>> -> memref<1x50x64xf32, #tpu.memory_space<hbm>>
      %dma_wait3A_411 = tpu.memref_squeeze %dma_wait3A_410 : memref<1x50x64xf32, #tpu.memory_space<hbm>> -> memref<50x64xf32, #tpu.memory_space<hbm>>
      %dma_wait3A_412 = arith.constant 0 : i32
      %dma_wait3A_413 = arith.constant 0 : i32
      %dma_wait3A_414 = tpu.memref_slice %arg4[%dma_wait3A_403, %dma_wait3A_412, %dma_wait3A_413] : memref<16384x56x128xf32, #tpu.memory_space<hbm>> -> memref<1x50x64xf32, #tpu.memory_space<hbm>>
      %dma_wait3A_415 = tpu.memref_squeeze %dma_wait3A_414 : memref<1x50x64xf32, #tpu.memory_space<hbm>> -> memref<50x64xf32, #tpu.memory_space<hbm>>
      %dma_wait3A_416 = arith.constant 50 : i32
      %dma_wait3A_417 = arith.constant 0 : i32
      %dma_wait3A_418 = tpu.memref_slice %arg6[%dma_wait3A_402, %dma_wait3A_416, %dma_wait3A_417] : memref<4x100x64xf32, #tpu.memory_space<vmem>> -> memref<1x50x64xf32, #tpu.memory_space<vmem>>
      %dma_wait3A_419 = tpu.memref_squeeze %dma_wait3A_418 : memref<1x50x64xf32, #tpu.memory_space<vmem>> -> memref<50x64xf32, #tpu.memory_space<vmem>>
      tpu.wait_dma2 semaphore(%arg12 : memref<!tpu.dma_semaphore, #tpu.memory_space<semaphore_mem>>) src(%dma_wait3A_419 : memref<50x64xf32, #tpu.memory_space<vmem>>) dst(%dma_wait3A_415 : memref<50x64xf32, #tpu.memory_space<hbm>>)
      %lt3A_420 = arith.constant 63 : i32
      %lt3A_421 = arith.cmpi slt, %scan3A_104, %lt3A_420 : i32
      %convert_element_type3A_422 = arith.extui %lt3A_421 : i1 to i32
      %cond3A_423 = arith.constant 0 : i32
      %cond3A_424 = arith.cmpi ne, %convert_element_type3A_422, %cond3A_423 : i32
      scf.if %cond3A_424 {
        %add3A_489 = arith.constant 2 : i32
        %add3A_490 = arith.addi %add3A_383, %add3A_489 : i32
        %dma_start3A_491 = arith.constant 1 : i32
        %dma_start3A_492 = arith.constant 0 : i32
        %dma_start3A_493 = arith.constant 0 : i32
        %dma_start3A_494 = tpu.memref_slice %arg6[%dma_start3A_491, %dma_start3A_492, %dma_start3A_493] : memref<4x100x64xf32, #tpu.memory_space<vmem>> -> memref<1x100x64xf32, #tpu.memory_space<vmem>>
        %dma_start3A_495 = tpu.memref_squeeze %dma_start3A_494 : memref<1x100x64xf32, #tpu.memory_space<vmem>> -> memref<100x64xf32, #tpu.memory_space<vmem>>
        %dma_start3A_496 = arith.constant 0 : i32
        %dma_start3A_497 = tpu.memref_slice %arg5[%add3A_490, %dma_start3A_496] : memref<256x100xi32, #tpu.memory_space<vmem>> -> memref<1x100xi32, #tpu.memory_space<vmem>>
        %dma_start3A_498 = tpu.memref_squeeze %dma_start3A_497 : memref<1x100xi32, #tpu.memory_space<vmem>> -> memref<100xi32, #tpu.memory_space<vmem>>
        %dma_start3A_499 = arith.constant 0 : i32
        %dma_start3A_500 = arith.constant 0 : i32
        %dma_start3A_501 = tpu.memref_slice %arg3[%dma_start3A_499, %dma_start3A_500] : memref<1000000x64xf32, #tpu.memory_space<hbm>> -> memref<1000000x64xf32, #tpu.memory_space<hbm>>
        tpu.enqueue_indirect_dma source(%dma_start3A_501 : memref<1000000x64xf32, #tpu.memory_space<hbm>>) target(%dma_start3A_495 : memref<100x64xf32, #tpu.memory_space<vmem>>) offsets(%dma_start3A_498 : memref<100xi32, #tpu.memory_space<vmem>>) semaphore(%arg8 : memref<!tpu.dma_semaphore, #tpu.memory_space<semaphore_mem>>)
      } else {
      }
      %dma_wait3A_425 = arith.constant 0 : i32
      %dma_wait3A_426 = arith.constant 3 : i32
      %dma_wait3A_427 = arith.constant 0 : i32
      %dma_wait3A_428 = arith.constant 0 : i32
      %dma_wait3A_429 = tpu.memref_slice %arg6[%dma_wait3A_426, %dma_wait3A_427, %dma_wait3A_428] : memref<4x100x64xf32, #tpu.memory_space<vmem>> -> memref<1x100x64xf32, #tpu.memory_space<vmem>>
      %dma_wait3A_430 = tpu.memref_squeeze %dma_wait3A_429 : memref<1x100x64xf32, #tpu.memory_space<vmem>> -> memref<100x64xf32, #tpu.memory_space<vmem>>
      %dma_wait3A_431 = arith.constant 0 : i32
      %dma_wait3A_432 = tpu.memref_slice %arg5[%dma_wait3A_425, %dma_wait3A_431] : memref<256x100xi32, #tpu.memory_space<vmem>> -> memref<1x100xi32, #tpu.memory_space<vmem>>
      %dma_wait3A_433 = tpu.memref_squeeze %dma_wait3A_432 : memref<1x100xi32, #tpu.memory_space<vmem>> -> memref<100xi32, #tpu.memory_space<vmem>>
      %dma_wait3A_434 = arith.constant 0 : i32
      %dma_wait3A_435 = arith.constant 0 : i32
      %dma_wait3A_436 = tpu.memref_slice %arg3[%dma_wait3A_434, %dma_wait3A_435] : memref<1000000x64xf32, #tpu.memory_space<hbm>> -> memref<1000000x64xf32, #tpu.memory_space<hbm>>
      tpu.wait_indirect_dma semaphore(%arg10 : memref<!tpu.dma_semaphore, #tpu.memory_space<semaphore_mem>>) src(%dma_wait3A_436 : memref<1000000x64xf32, #tpu.memory_space<hbm>>) dst(%dma_wait3A_430 : memref<100x64xf32, #tpu.memory_space<vmem>>)
      %scan3A_437 = arith.constant 0 : i32
      %scan3A_438 = arith.constant 0 : i32
      %scan3A_439 = arith.constant 100 : i32
      %scan3A_440 = arith.addi %scan3A_438, %scan3A_439 : i32
      %scan3A_441 = arith.constant 2 : i32
      %scan3A_442 = scf.for %scan3A_489 = %scan3A_438 to %scan3A_440 step %scan3A_441 iter_args(%scan3A_490 = %scan3A_437) -> (i32)  : i32 {
        %get3A = arith.constant 3 : i32
        %get3A_491 = arith.constant 0 : i32
        %get3A_492 = tpu.memref_slice %arg6[%get3A, %scan3A_489, %get3A_491] : memref<4x100x64xf32, #tpu.memory_space<vmem>> -> memref<1x1x64xf32, #tpu.memory_space<vmem>>
        %get3A_493 = tpu.memref_squeeze %get3A_492 : memref<1x1x64xf32, #tpu.memory_space<vmem>> -> memref<64xf32, #tpu.memory_space<vmem>>
        %get3A_494 = arith.constant 0 : index
        %get3A_495 = tpu.vector_load %get3A_493[%get3A_494] {strides = array<i32>} : memref<64xf32, #tpu.memory_space<vmem>>, vector<16xf32>,
        %get3A_496 = vector.shape_cast %get3A_495 : vector<16xf32> to vector<16xf32>
        %mul3A_497 = vector.broadcast %scan3A : f32 to vector<16xf32>
        %mul3A_498 = arith.mulf %get3A_496, %mul3A_497 : vector<16xf32>
        %swap3A = arith.constant 3 : i32
        %swap3A_499 = arith.constant 0 : i32
        %swap3A_500 = tpu.memref_slice %arg6[%swap3A, %scan3A_489, %swap3A_499] : memref<4x100x64xf32, #tpu.memory_space<vmem>> -> memref<1x1x64xf32, #tpu.memory_space<vmem>>
        %swap3A_501 = tpu.memref_squeeze %swap3A_500 : memref<1x1x64xf32, #tpu.memory_space<vmem>> -> memref<64xf32, #tpu.memory_space<vmem>>
        %swap3A_502 = arith.constant 0 : index
        %swap3A_503 = tpu.vector_load %swap3A_501[%swap3A_502] {strides = array<i32>} : memref<64xf32, #tpu.memory_space<vmem>>, vector<16xf32>,
        %swap3A_504 = vector.shape_cast %swap3A_503 : vector<16xf32> to vector<16xf32>
        %swap3A_505 = vector.shape_cast %mul3A_498 : vector<16xf32> to vector<16xf32>
        tpu.vector_store %swap3A_501[%swap3A_502], %swap3A_505 {strides = array<i32>} : memref<64xf32, #tpu.memory_space<vmem>>, vector<16xf32>,
        %get3A_506 = arith.constant 3 : i32
        %get3A_507 = arith.constant 0 : i32
        %get3A_508 = tpu.memref_slice %arg6[%get3A_506, %scan3A_489, %get3A_507] : memref<4x100x64xf32, #tpu.memory_space<vmem>> -> memref<1x1x64xf32, #tpu.memory_space<vmem>>
        %get3A_509 = tpu.memref_squeeze %get3A_508 : memref<1x1x64xf32, #tpu.memory_space<vmem>> -> memref<64xf32, #tpu.memory_space<vmem>>
        %get3A_510 = arith.constant 16 : index
        %get3A_511 = tpu.vector_load %get3A_509[%get3A_510] {strides = array<i32>} : memref<64xf32, #tpu.memory_space<vmem>>, vector<16xf32>,
        %get3A_512 = vector.shape_cast %get3A_511 : vector<16xf32> to vector<16xf32>
        %mul3A_513 = vector.broadcast %scan3A : f32 to vector<16xf32>
        %mul3A_514 = arith.mulf %get3A_512, %mul3A_513 : vector<16xf32>
        %swap3A_515 = arith.constant 3 : i32
        %swap3A_516 = arith.constant 0 : i32
        %swap3A_517 = tpu.memref_slice %arg6[%swap3A_515, %scan3A_489, %swap3A_516] : memref<4x100x64xf32, #tpu.memory_space<vmem>> -> memref<1x1x64xf32, #tpu.memory_space<vmem>>
        %swap3A_518 = tpu.memref_squeeze %swap3A_517 : memref<1x1x64xf32, #tpu.memory_space<vmem>> -> memref<64xf32, #tpu.memory_space<vmem>>
        %swap3A_519 = arith.constant 16 : index
        %swap3A_520 = tpu.vector_load %swap3A_518[%swap3A_519] {strides = array<i32>} : memref<64xf32, #tpu.memory_space<vmem>>, vector<16xf32>,
        %swap3A_521 = vector.shape_cast %swap3A_520 : vector<16xf32> to vector<16xf32>
        %swap3A_522 = vector.shape_cast %mul3A_514 : vector<16xf32> to vector<16xf32>
        tpu.vector_store %swap3A_518[%swap3A_519], %swap3A_522 {strides = array<i32>} : memref<64xf32, #tpu.memory_space<vmem>>, vector<16xf32>,
        %get3A_523 = arith.constant 3 : i32
        %get3A_524 = arith.constant 0 : i32
        %get3A_525 = tpu.memref_slice %arg6[%get3A_523, %scan3A_489, %get3A_524] : memref<4x100x64xf32, #tpu.memory_space<vmem>> -> memref<1x1x64xf32, #tpu.memory_space<vmem>>
        %get3A_526 = tpu.memref_squeeze %get3A_525 : memref<1x1x64xf32, #tpu.memory_space<vmem>> -> memref<64xf32, #tpu.memory_space<vmem>>
        %get3A_527 = arith.constant 32 : index
        %get3A_528 = tpu.vector_load %get3A_526[%get3A_527] {strides = array<i32>} : memref<64xf32, #tpu.memory_space<vmem>>, vector<16xf32>,
        %get3A_529 = vector.shape_cast %get3A_528 : vector<16xf32> to vector<16xf32>
        %mul3A_530 = vector.broadcast %scan3A : f32 to vector<16xf32>
        %mul3A_531 = arith.mulf %get3A_529, %mul3A_530 : vector<16xf32>
        %swap3A_532 = arith.constant 3 : i32
        %swap3A_533 = arith.constant 0 : i32
        %swap3A_534 = tpu.memref_slice %arg6[%swap3A_532, %scan3A_489, %swap3A_533] : memref<4x100x64xf32, #tpu.memory_space<vmem>> -> memref<1x1x64xf32, #tpu.memory_space<vmem>>
        %swap3A_535 = tpu.memref_squeeze %swap3A_534 : memref<1x1x64xf32, #tpu.memory_space<vmem>> -> memref<64xf32, #tpu.memory_space<vmem>>
        %swap3A_536 = arith.constant 32 : index
        %swap3A_537 = tpu.vector_load %swap3A_535[%swap3A_536] {strides = array<i32>} : memref<64xf32, #tpu.memory_space<vmem>>, vector<16xf32>,
        %swap3A_538 = vector.shape_cast %swap3A_537 : vector<16xf32> to vector<16xf32>
        %swap3A_539 = vector.shape_cast %mul3A_531 : vector<16xf32> to vector<16xf32>
        tpu.vector_store %swap3A_535[%swap3A_536], %swap3A_539 {strides = array<i32>} : memref<64xf32, #tpu.memory_space<vmem>>, vector<16xf32>,
        %get3A_540 = arith.constant 3 : i32
        %get3A_541 = arith.constant 0 : i32
        %get3A_542 = tpu.memref_slice %arg6[%get3A_540, %scan3A_489, %get3A_541] : memref<4x100x64xf32, #tpu.memory_space<vmem>> -> memref<1x1x64xf32, #tpu.memory_space<vmem>>
        %get3A_543 = tpu.memref_squeeze %get3A_542 : memref<1x1x64xf32, #tpu.memory_space<vmem>> -> memref<64xf32, #tpu.memory_space<vmem>>
        %get3A_544 = arith.constant 48 : index
        %get3A_545 = tpu.vector_load %get3A_543[%get3A_544] {strides = array<i32>} : memref<64xf32, #tpu.memory_space<vmem>>, vector<16xf32>,
        %get3A_546 = vector.shape_cast %get3A_545 : vector<16xf32> to vector<16xf32>
        %mul3A_547 = vector.broadcast %scan3A : f32 to vector<16xf32>
        %mul3A_548 = arith.mulf %get3A_546, %mul3A_547 : vector<16xf32>
        %swap3A_549 = arith.constant 3 : i32
        %swap3A_550 = arith.constant 0 : i32
        %swap3A_551 = tpu.memref_slice %arg6[%swap3A_549, %scan3A_489, %swap3A_550] : memref<4x100x64xf32, #tpu.memory_space<vmem>> -> memref<1x1x64xf32, #tpu.memory_space<vmem>>
        %swap3A_552 = tpu.memref_squeeze %swap3A_551 : memref<1x1x64xf32, #tpu.memory_space<vmem>> -> memref<64xf32, #tpu.memory_space<vmem>>
        %swap3A_553 = arith.constant 48 : index
        %swap3A_554 = tpu.vector_load %swap3A_552[%swap3A_553] {strides = array<i32>} : memref<64xf32, #tpu.memory_space<vmem>>, vector<16xf32>,
        %swap3A_555 = vector.shape_cast %swap3A_554 : vector<16xf32> to vector<16xf32>
        %swap3A_556 = vector.shape_cast %mul3A_548 : vector<16xf32> to vector<16xf32>
        tpu.vector_store %swap3A_552[%swap3A_553], %swap3A_556 {strides = array<i32>} : memref<64xf32, #tpu.memory_space<vmem>>, vector<16xf32>,
        %scan3A_557 = arith.constant 0 : i32
        %scan3A_558 = arith.constant 1 : i32
        %scan3A_559 = arith.addi %scan3A_489, %scan3A_558 : i32
        %get3A_560 = arith.constant 3 : i32
        %get3A_561 = arith.constant 0 : i32
        %get3A_562 = tpu.memref_slice %arg6[%get3A_560, %scan3A_559, %get3A_561] : memref<4x100x64xf32, #tpu.memory_space<vmem>> -> memref<1x1x64xf32, #tpu.memory_space<vmem>>
        %get3A_563 = tpu.memref_squeeze %get3A_562 : memref<1x1x64xf32, #tpu.memory_space<vmem>> -> memref<64xf32, #tpu.memory_space<vmem>>
        %get3A_564 = arith.constant 0 : index
        %get3A_565 = tpu.vector_load %get3A_563[%get3A_564] {strides = array<i32>} : memref<64xf32, #tpu.memory_space<vmem>>, vector<16xf32>,
        %get3A_566 = vector.shape_cast %get3A_565 : vector<16xf32> to vector<16xf32>
        %mul3A_567 = vector.broadcast %scan3A : f32 to vector<16xf32>
        %mul3A_568 = arith.mulf %get3A_566, %mul3A_567 : vector<16xf32>
        %swap3A_569 = arith.constant 3 : i32
        %swap3A_570 = arith.constant 0 : i32
        %swap3A_571 = tpu.memref_slice %arg6[%swap3A_569, %scan3A_559, %swap3A_570] : memref<4x100x64xf32, #tpu.memory_space<vmem>> -> memref<1x1x64xf32, #tpu.memory_space<vmem>>
        %swap3A_572 = tpu.memref_squeeze %swap3A_571 : memref<1x1x64xf32, #tpu.memory_space<vmem>> -> memref<64xf32, #tpu.memory_space<vmem>>
        %swap3A_573 = arith.constant 0 : index
        %swap3A_574 = tpu.vector_load %swap3A_572[%swap3A_573] {strides = array<i32>} : memref<64xf32, #tpu.memory_space<vmem>>, vector<16xf32>,
        %swap3A_575 = vector.shape_cast %swap3A_574 : vector<16xf32> to vector<16xf32>
        %swap3A_576 = vector.shape_cast %mul3A_568 : vector<16xf32> to vector<16xf32>
        tpu.vector_store %swap3A_572[%swap3A_573], %swap3A_576 {strides = array<i32>} : memref<64xf32, #tpu.memory_space<vmem>>, vector<16xf32>,
        %get3A_577 = arith.constant 3 : i32
        %get3A_578 = arith.constant 0 : i32
        %get3A_579 = tpu.memref_slice %arg6[%get3A_577, %scan3A_559, %get3A_578] : memref<4x100x64xf32, #tpu.memory_space<vmem>> -> memref<1x1x64xf32, #tpu.memory_space<vmem>>
        %get3A_580 = tpu.memref_squeeze %get3A_579 : memref<1x1x64xf32, #tpu.memory_space<vmem>> -> memref<64xf32, #tpu.memory_space<vmem>>
        %get3A_581 = arith.constant 16 : index
        %get3A_582 = tpu.vector_load %get3A_580[%get3A_581] {strides = array<i32>} : memref<64xf32, #tpu.memory_space<vmem>>, vector<16xf32>,
        %get3A_583 = vector.shape_cast %get3A_582 : vector<16xf32> to vector<16xf32>
        %mul3A_584 = vector.broadcast %scan3A : f32 to vector<16xf32>
        %mul3A_585 = arith.mulf %get3A_583, %mul3A_584 : vector<16xf32>
        %swap3A_586 = arith.constant 3 : i32
        %swap3A_587 = arith.constant 0 : i32
        %swap3A_588 = tpu.memref_slice %arg6[%swap3A_586, %scan3A_559, %swap3A_587] : memref<4x100x64xf32, #tpu.memory_space<vmem>> -> memref<1x1x64xf32, #tpu.memory_space<vmem>>
        %swap3A_589 = tpu.memref_squeeze %swap3A_588 : memref<1x1x64xf32, #tpu.memory_space<vmem>> -> memref<64xf32, #tpu.memory_space<vmem>>
        %swap3A_590 = arith.constant 16 : index
        %swap3A_591 = tpu.vector_load %swap3A_589[%swap3A_590] {strides = array<i32>} : memref<64xf32, #tpu.memory_space<vmem>>, vector<16xf32>,
        %swap3A_592 = vector.shape_cast %swap3A_591 : vector<16xf32> to vector<16xf32>
        %swap3A_593 = vector.shape_cast %mul3A_585 : vector<16xf32> to vector<16xf32>
        tpu.vector_store %swap3A_589[%swap3A_590], %swap3A_593 {strides = array<i32>} : memref<64xf32, #tpu.memory_space<vmem>>, vector<16xf32>,
        %get3A_594 = arith.constant 3 : i32
        %get3A_595 = arith.constant 0 : i32
        %get3A_596 = tpu.memref_slice %arg6[%get3A_594, %scan3A_559, %get3A_595] : memref<4x100x64xf32, #tpu.memory_space<vmem>> -> memref<1x1x64xf32, #tpu.memory_space<vmem>>
        %get3A_597 = tpu.memref_squeeze %get3A_596 : memref<1x1x64xf32, #tpu.memory_space<vmem>> -> memref<64xf32, #tpu.memory_space<vmem>>
        %get3A_598 = arith.constant 32 : index
        %get3A_599 = tpu.vector_load %get3A_597[%get3A_598] {strides = array<i32>} : memref<64xf32, #tpu.memory_space<vmem>>, vector<16xf32>,
        %get3A_600 = vector.shape_cast %get3A_599 : vector<16xf32> to vector<16xf32>
        %mul3A_601 = vector.broadcast %scan3A : f32 to vector<16xf32>
        %mul3A_602 = arith.mulf %get3A_600, %mul3A_601 : vector<16xf32>
        %swap3A_603 = arith.constant 3 : i32
        %swap3A_604 = arith.constant 0 : i32
        %swap3A_605 = tpu.memref_slice %arg6[%swap3A_603, %scan3A_559, %swap3A_604] : memref<4x100x64xf32, #tpu.memory_space<vmem>> -> memref<1x1x64xf32, #tpu.memory_space<vmem>>
        %swap3A_606 = tpu.memref_squeeze %swap3A_605 : memref<1x1x64xf32, #tpu.memory_space<vmem>> -> memref<64xf32, #tpu.memory_space<vmem>>
        %swap3A_607 = arith.constant 32 : index
        %swap3A_608 = tpu.vector_load %swap3A_606[%swap3A_607] {strides = array<i32>} : memref<64xf32, #tpu.memory_space<vmem>>, vector<16xf32>,
        %swap3A_609 = vector.shape_cast %swap3A_608 : vector<16xf32> to vector<16xf32>
        %swap3A_610 = vector.shape_cast %mul3A_602 : vector<16xf32> to vector<16xf32>
        tpu.vector_store %swap3A_606[%swap3A_607], %swap3A_610 {strides = array<i32>} : memref<64xf32, #tpu.memory_space<vmem>>, vector<16xf32>,
        %get3A_611 = arith.constant 3 : i32
        %get3A_612 = arith.constant 0 : i32
        %get3A_613 = tpu.memref_slice %arg6[%get3A_611, %scan3A_559, %get3A_612] : memref<4x100x64xf32, #tpu.memory_space<vmem>> -> memref<1x1x64xf32, #tpu.memory_space<vmem>>
        %get3A_614 = tpu.memref_squeeze %get3A_613 : memref<1x1x64xf32, #tpu.memory_space<vmem>> -> memref<64xf32, #tpu.memory_space<vmem>>
        %get3A_615 = arith.constant 48 : index
        %get3A_616 = tpu.vector_load %get3A_614[%get3A_615] {strides = array<i32>} : memref<64xf32, #tpu.memory_space<vmem>>, vector<16xf32>,
        %get3A_617 = vector.shape_cast %get3A_616 : vector<16xf32> to vector<16xf32>
        %mul3A_618 = vector.broadcast %scan3A : f32 to vector<16xf32>
        %mul3A_619 = arith.mulf %get3A_617, %mul3A_618 : vector<16xf32>
        %swap3A_620 = arith.constant 3 : i32
        %swap3A_621 = arith.constant 0 : i32
        %swap3A_622 = tpu.memref_slice %arg6[%swap3A_620, %scan3A_559, %swap3A_621] : memref<4x100x64xf32, #tpu.memory_space<vmem>> -> memref<1x1x64xf32, #tpu.memory_space<vmem>>
        %swap3A_623 = tpu.memref_squeeze %swap3A_622 : memref<1x1x64xf32, #tpu.memory_space<vmem>> -> memref<64xf32, #tpu.memory_space<vmem>>
        %swap3A_624 = arith.constant 48 : index
        %swap3A_625 = tpu.vector_load %swap3A_623[%swap3A_624] {strides = array<i32>} : memref<64xf32, #tpu.memory_space<vmem>>, vector<16xf32>,
        %swap3A_626 = vector.shape_cast %swap3A_625 : vector<16xf32> to vector<16xf32>
        %swap3A_627 = vector.shape_cast %mul3A_619 : vector<16xf32> to vector<16xf32>
        tpu.vector_store %swap3A_623[%swap3A_624], %swap3A_627 {strides = array<i32>} : memref<64xf32, #tpu.memory_space<vmem>>, vector<16xf32>,
        %scan3A_628 = arith.constant 0 : i32
        scf.yield %scan3A_628 : i32
      }
      %scan3A_443 = arith.constant 100 : i32
      %add3A_444 = arith.addi %mul3A_2, %add3A_383 : i32
      %mul3A_445 = arith.constant 2 : i32
      %mul3A_446 = arith.muli %add3A_444, %mul3A_445 : i32
      %add3A_447 = arith.constant 0 : i32
      %add3A_448 = arith.addi %mul3A_446, %add3A_447 : i32
      %dma_start3A_449 = arith.constant 3 : i32
      %dma_start3A_450 = arith.constant 0 : i32
      %dma_start3A_451 = arith.constant 0 : i32
      %dma_start3A_452 = tpu.memref_slice %arg6[%dma_start3A_449, %dma_start3A_450, %dma_start3A_451] : memref<4x100x64xf32, #tpu.memory_space<vmem>> -> memref<1x50x64xf32, #tpu.memory_space<vmem>>
      %dma_start3A_453 = tpu.memref_squeeze %dma_start3A_452 : memref<1x50x64xf32, #tpu.memory_space<vmem>> -> memref<50x64xf32, #tpu.memory_space<vmem>>
      %dma_start3A_454 = arith.constant 0 : i32
      %dma_start3A_455 = arith.constant 0 : i32
      %dma_start3A_456 = tpu.memref_slice %arg4[%add3A_448, %dma_start3A_454, %dma_start3A_455] : memref<16384x56x128xf32, #tpu.memory_space<hbm>> -> memref<1x50x64xf32, #tpu.memory_space<hbm>>
      %dma_start3A_457 = tpu.memref_squeeze %dma_start3A_456 : memref<1x50x64xf32, #tpu.memory_space<hbm>> -> memref<50x64xf32, #tpu.memory_space<hbm>>
      %dma_start3A_458 = arith.constant 0 : i32
      %dma_start3A_459 = arith.constant 0 : i32
      %dma_start3A_460 = tpu.memref_slice %arg4[%add3A_448, %dma_start3A_458, %dma_start3A_459] : memref<16384x56x128xf32, #tpu.memory_space<hbm>> -> memref<1x50x64xf32, #tpu.memory_space<hbm>>
      %dma_start3A_461 = tpu.memref_squeeze %dma_start3A_460 : memref<1x50x64xf32, #tpu.memory_space<hbm>> -> memref<50x64xf32, #tpu.memory_space<hbm>>
      %dma_start3A_462 = arith.constant 0 : i32
      %dma_start3A_463 = arith.constant 0 : i32
      %dma_start3A_464 = tpu.memref_slice %arg6[%dma_start3A_449, %dma_start3A_462, %dma_start3A_463] : memref<4x100x64xf32, #tpu.memory_space<vmem>> -> memref<1x50x64xf32, #tpu.memory_space<vmem>>
      %dma_start3A_465 = tpu.memref_squeeze %dma_start3A_464 : memref<1x50x64xf32, #tpu.memory_space<vmem>> -> memref<50x64xf32, #tpu.memory_space<vmem>>
      tpu.enqueue_dma source(%dma_start3A_465 : memref<50x64xf32, #tpu.memory_space<vmem>>) target(%dma_start3A_461 : memref<50x64xf32, #tpu.memory_space<hbm>>) target_semaphore(%arg14 : memref<!tpu.dma_semaphore, #tpu.memory_space<semaphore_mem>>)
      %add3A_466 = arith.addi %mul3A_2, %add3A_383 : i32
      %mul3A_467 = arith.constant 2 : i32
      %mul3A_468 = arith.muli %add3A_466, %mul3A_467 : i32
      %add3A_469 = arith.constant 1 : i32
      %add3A_470 = arith.addi %mul3A_468, %add3A_469 : i32
      %dma_start3A_471 = arith.constant 3 : i32
      %dma_start3A_472 = arith.constant 50 : i32
      %dma_start3A_473 = arith.constant 0 : i32
      %dma_start3A_474 = tpu.memref_slice %arg6[%dma_start3A_471, %dma_start3A_472, %dma_start3A_473] : memref<4x100x64xf32, #tpu.memory_space<vmem>> -> memref<1x50x64xf32, #tpu.memory_space<vmem>>
      %dma_start3A_475 = tpu.memref_squeeze %dma_start3A_474 : memref<1x50x64xf32, #tpu.memory_space<vmem>> -> memref<50x64xf32, #tpu.memory_space<vmem>>
      %dma_start3A_476 = arith.constant 0 : i32
      %dma_start3A_477 = arith.constant 0 : i32
      %dma_start3A_478 = tpu.memref_slice %arg4[%add3A_470, %dma_start3A_476, %dma_start3A_477] : memref<16384x56x128xf32, #tpu.memory_space<hbm>> -> memref<1x50x64xf32, #tpu.memory_space<hbm>>
      %dma_start3A_479 = tpu.memref_squeeze %dma_start3A_478 : memref<1x50x64xf32, #tpu.memory_space<hbm>> -> memref<50x64xf32, #tpu.memory_space<hbm>>
      %dma_start3A_480 = arith.constant 0 : i32
      %dma_start3A_481 = arith.constant 0 : i32
      %dma_start3A_482 = tpu.memref_slice %arg4[%add3A_470, %dma_start3A_480, %dma_start3A_481] : memref<16384x56x128xf32, #tpu.memory_space<hbm>> -> memref<1x50x64xf32, #tpu.memory_space<hbm>>
      %dma_start3A_483 = tpu.memref_squeeze %dma_start3A_482 : memref<1x50x64xf32, #tpu.memory_space<hbm>> -> memref<50x64xf32, #tpu.memory_space<hbm>>
      %dma_start3A_484 = arith.constant 50 : i32
      %dma_start3A_485 = arith.constant 0 : i32
      %dma_start3A_486 = tpu.memref_slice %arg6[%dma_start3A_471, %dma_start3A_484, %dma_start3A_485] : memref<4x100x64xf32, #tpu.memory_space<vmem>> -> memref<1x50x64xf32, #tpu.memory_space<vmem>>
      %dma_start3A_487 = tpu.memref_squeeze %dma_start3A_486 : memref<1x50x64xf32, #tpu.memory_space<vmem>> -> memref<50x64xf32, #tpu.memory_space<vmem>>
      tpu.enqueue_dma source(%dma_start3A_487 : memref<50x64xf32, #tpu.memory_space<vmem>>) target(%dma_start3A_483 : memref<50x64xf32, #tpu.memory_space<hbm>>) target_semaphore(%arg14 : memref<!tpu.dma_semaphore, #tpu.memory_space<semaphore_mem>>)
      %scan3A_488 = arith.constant 0 : i32
      scf.yield %scan3A_488 : i32
    }
    %scan3A_32 = arith.constant 64 : i32
    %dma_wait3A = arith.constant 2 : i32
    %dma_wait3A_33 = arith.constant 0 : i32
    %dma_wait3A_34 = arith.constant 0 : i32
    %dma_wait3A_35 = arith.constant 0 : i32
    %dma_wait3A_36 = tpu.memref_slice %arg6[%dma_wait3A, %dma_wait3A_34, %dma_wait3A_35] : memref<4x100x64xf32, #tpu.memory_space<vmem>> -> memref<1x50x64xf32, #tpu.memory_space<vmem>>
    %dma_wait3A_37 = tpu.memref_squeeze %dma_wait3A_36 : memref<1x50x64xf32, #tpu.memory_space<vmem>> -> memref<50x64xf32, #tpu.memory_space<vmem>>
    %dma_wait3A_38 = arith.constant 0 : i32
    %dma_wait3A_39 = arith.constant 0 : i32
    %dma_wait3A_40 = tpu.memref_slice %arg4[%dma_wait3A_33, %dma_wait3A_38, %dma_wait3A_39] : memref<16384x56x128xf32, #tpu.memory_space<hbm>> -> memref<1x50x64xf32, #tpu.memory_space<hbm>>
    %dma_wait3A_41 = tpu.memref_squeeze %dma_wait3A_40 : memref<1x50x64xf32, #tpu.memory_space<hbm>> -> memref<50x64xf32, #tpu.memory_space<hbm>>
    %dma_wait3A_42 = arith.constant 0 : i32
    %dma_wait3A_43 = arith.constant 0 : i32
    %dma_wait3A_44 = tpu.memref_slice %arg4[%dma_wait3A_33, %dma_wait3A_42, %dma_wait3A_43] : memref<16384x56x128xf32, #tpu.memory_space<hbm>> -> memref<1x50x64xf32, #tpu.memory_space<hbm>>
    %dma_wait3A_45 = tpu.memref_squeeze %dma_wait3A_44 : memref<1x50x64xf32, #tpu.memory_space<hbm>> -> memref<50x64xf32, #tpu.memory_space<hbm>>
    %dma_wait3A_46 = arith.constant 0 : i32
    %dma_wait3A_47 = arith.constant 0 : i32
    %dma_wait3A_48 = tpu.memref_slice %arg6[%dma_wait3A, %dma_wait3A_46, %dma_wait3A_47] : memref<4x100x64xf32, #tpu.memory_space<vmem>> -> memref<1x50x64xf32, #tpu.memory_space<vmem>>
    %dma_wait3A_49 = tpu.memref_squeeze %dma_wait3A_48 : memref<1x50x64xf32, #tpu.memory_space<vmem>> -> memref<50x64xf32, #tpu.memory_space<vmem>>
    tpu.wait_dma2 semaphore(%arg13 : memref<!tpu.dma_semaphore, #tpu.memory_space<semaphore_mem>>) src(%dma_wait3A_49 : memref<50x64xf32, #tpu.memory_space<vmem>>) dst(%dma_wait3A_45 : memref<50x64xf32, #tpu.memory_space<hbm>>)
    %dma_wait3A_50 = arith.constant 2 : i32
    %dma_wait3A_51 = arith.constant 0 : i32
    %dma_wait3A_52 = arith.constant 50 : i32
    %dma_wait3A_53 = arith.constant 0 : i32
    %dma_wait3A_54 = tpu.memref_slice %arg6[%dma_wait3A_50, %dma_wait3A_52, %dma_wait3A_53] : memref<4x100x64xf32, #tpu.memory_space<vmem>> -> memref<1x50x64xf32, #tpu.memory_space<vmem>>
    %dma_wait3A_55 = tpu.memref_squeeze %dma_wait3A_54 : memref<1x50x64xf32, #tpu.memory_space<vmem>> -> memref<50x64xf32, #tpu.memory_space<vmem>>
    %dma_wait3A_56 = arith.constant 0 : i32
    %dma_wait3A_57 = arith.constant 0 : i32
    %dma_wait3A_58 = tpu.memref_slice %arg4[%dma_wait3A_51, %dma_wait3A_56, %dma_wait3A_57] : memref<16384x56x128xf32, #tpu.memory_space<hbm>> -> memref<1x50x64xf32, #tpu.memory_space<hbm>>
    %dma_wait3A_59 = tpu.memref_squeeze %dma_wait3A_58 : memref<1x50x64xf32, #tpu.memory_space<hbm>> -> memref<50x64xf32, #tpu.memory_space<hbm>>
    %dma_wait3A_60 = arith.constant 0 : i32
    %dma_wait3A_61 = arith.constant 0 : i32
    %dma_wait3A_62 = tpu.memref_slice %arg4[%dma_wait3A_51, %dma_wait3A_60, %dma_wait3A_61] : memref<16384x56x128xf32, #tpu.memory_space<hbm>> -> memref<1x50x64xf32, #tpu.memory_space<hbm>>
    %dma_wait3A_63 = tpu.memref_squeeze %dma_wait3A_62 : memref<1x50x64xf32, #tpu.memory_space<hbm>> -> memref<50x64xf32, #tpu.memory_space<hbm>>
    %dma_wait3A_64 = arith.constant 50 : i32
    %dma_wait3A_65 = arith.constant 0 : i32
    %dma_wait3A_66 = tpu.memref_slice %arg6[%dma_wait3A_50, %dma_wait3A_64, %dma_wait3A_65] : memref<4x100x64xf32, #tpu.memory_space<vmem>> -> memref<1x50x64xf32, #tpu.memory_space<vmem>>
    %dma_wait3A_67 = tpu.memref_squeeze %dma_wait3A_66 : memref<1x50x64xf32, #tpu.memory_space<vmem>> -> memref<50x64xf32, #tpu.memory_space<vmem>>
    tpu.wait_dma2 semaphore(%arg13 : memref<!tpu.dma_semaphore, #tpu.memory_space<semaphore_mem>>) src(%dma_wait3A_67 : memref<50x64xf32, #tpu.memory_space<vmem>>) dst(%dma_wait3A_63 : memref<50x64xf32, #tpu.memory_space<hbm>>)
    %dma_wait3A_68 = arith.constant 3 : i32
    %dma_wait3A_69 = arith.constant 0 : i32
    %dma_wait3A_70 = arith.constant 0 : i32
    %dma_wait3A_71 = arith.constant 0 : i32
    %dma_wait3A_72 = tpu.memref_slice %arg6[%dma_wait3A_68, %dma_wait3A_70, %dma_wait3A_71] : memref<4x100x64xf32, #tpu.memory_space<vmem>> -> memref<1x50x64xf32, #tpu.memory_space<vmem>>
    %dma_wait3A_73 = tpu.memref_squeeze %dma_wait3A_72 : memref<1x50x64xf32, #tpu.memory_space<vmem>> -> memref<50x64xf32, #tpu.memory_space<vmem>>
    %dma_wait3A_74 = arith.constant 0 : i32
    %dma_wait3A_75 = arith.constant 0 : i32
    %dma_wait3A_76 = tpu.memref_slice %arg4[%dma_wait3A_69, %dma_wait3A_74, %dma_wait3A_75] : memref<16384x56x128xf32, #tpu.memory_space<hbm>> -> memref<1x50x64xf32, #tpu.memory_space<hbm>>
    %dma_wait3A_77 = tpu.memref_squeeze %dma_wait3A_76 : memref<1x50x64xf32, #tpu.memory_space<hbm>> -> memref<50x64xf32, #tpu.memory_space<hbm>>
    %dma_wait3A_78 = arith.constant 0 : i32
    %dma_wait3A_79 = arith.constant 0 : i32
    %dma_wait3A_80 = tpu.memref_slice %arg4[%dma_wait3A_69, %dma_wait3A_78, %dma_wait3A_79] : memref<16384x56x128xf32, #tpu.memory_space<hbm>> -> memref<1x50x64xf32, #tpu.memory_space<hbm>>
    %dma_wait3A_81 = tpu.memref_squeeze %dma_wait3A_80 : memref<1x50x64xf32, #tpu.memory_space<hbm>> -> memref<50x64xf32, #tpu.memory_space<hbm>>
    %dma_wait3A_82 = arith.constant 0 : i32
    %dma_wait3A_83 = arith.constant 0 : i32
    %dma_wait3A_84 = tpu.memref_slice %arg6[%dma_wait3A_68, %dma_wait3A_82, %dma_wait3A_83] : memref<4x100x64xf32, #tpu.memory_space<vmem>> -> memref<1x50x64xf32, #tpu.memory_space<vmem>>
    %dma_wait3A_85 = tpu.memref_squeeze %dma_wait3A_84 : memref<1x50x64xf32, #tpu.memory_space<vmem>> -> memref<50x64xf32, #tpu.memory_space<vmem>>
    tpu.wait_dma2 semaphore(%arg14 : memref<!tpu.dma_semaphore, #tpu.memory_space<semaphore_mem>>) src(%dma_wait3A_85 : memref<50x64xf32, #tpu.memory_space<vmem>>) dst(%dma_wait3A_81 : memref<50x64xf32, #tpu.memory_space<hbm>>)
    %dma_wait3A_86 = arith.constant 3 : i32
    %dma_wait3A_87 = arith.constant 0 : i32
    %dma_wait3A_88 = arith.constant 50 : i32
    %dma_wait3A_89 = arith.constant 0 : i32
    %dma_wait3A_90 = tpu.memref_slice %arg6[%dma_wait3A_86, %dma_wait3A_88, %dma_wait3A_89] : memref<4x100x64xf32, #tpu.memory_space<vmem>> -> memref<1x50x64xf32, #tpu.memory_space<vmem>>
    %dma_wait3A_91 = tpu.memref_squeeze %dma_wait3A_90 : memref<1x50x64xf32, #tpu.memory_space<vmem>> -> memref<50x64xf32, #tpu.memory_space<vmem>>
    %dma_wait3A_92 = arith.constant 0 : i32
    %dma_wait3A_93 = arith.constant 0 : i32
    %dma_wait3A_94 = tpu.memref_slice %arg4[%dma_wait3A_87, %dma_wait3A_92, %dma_wait3A_93] : memref<16384x56x128xf32, #tpu.memory_space<hbm>> -> memref<1x50x64xf32, #tpu.memory_space<hbm>>
    %dma_wait3A_95 = tpu.memref_squeeze %dma_wait3A_94 : memref<1x50x64xf32, #tpu.memory_space<hbm>> -> memref<50x64xf32, #tpu.memory_space<hbm>>
    %dma_wait3A_96 = arith.constant 0 : i32
    %dma_wait3A_97 = arith.constant 0 : i32
    %dma_wait3A_98 = tpu.memref_slice %arg4[%dma_wait3A_87, %dma_wait3A_96, %dma_wait3A_97] : memref<16384x56x128xf32, #tpu.memory_space<hbm>> -> memref<1x50x64xf32, #tpu.memory_space<hbm>>
    %dma_wait3A_99 = tpu.memref_squeeze %dma_wait3A_98 : memref<1x50x64xf32, #tpu.memory_space<hbm>> -> memref<50x64xf32, #tpu.memory_space<hbm>>
    %dma_wait3A_100 = arith.constant 50 : i32
    %dma_wait3A_101 = arith.constant 0 : i32
    %dma_wait3A_102 = tpu.memref_slice %arg6[%dma_wait3A_86, %dma_wait3A_100, %dma_wait3A_101] : memref<4x100x64xf32, #tpu.memory_space<vmem>> -> memref<1x50x64xf32, #tpu.memory_space<vmem>>
    %dma_wait3A_103 = tpu.memref_squeeze %dma_wait3A_102 : memref<1x50x64xf32, #tpu.memory_space<vmem>> -> memref<50x64xf32, #tpu.memory_space<vmem>>
    tpu.wait_dma2 semaphore(%arg14 : memref<!tpu.dma_semaphore, #tpu.memory_space<semaphore_mem>>) src(%dma_wait3A_103 : memref<50x64xf32, #tpu.memory_space<vmem>>) dst(%dma_wait3A_99 : memref<50x64xf32, #tpu.memory_space<hbm>>)
    return
  }
}

</mosaic_0001>

<sc_bundles>
// kernel: kernel.3.cloned.1.call-start
scs
__scs_entry_jumppad:
0x0: {  	(pc) =	sbr.rel $0x88, $3  }
0x1: {  	(tag) =	ssettag $0x0;
	lr =	simm.s32 $0x1  }
0x2: {  	[smem:$0x3F9F] =	sst lr;
	_ =	strace $0xD0000000  }
0x3: {  	_ = 	snop  }
0x4: {  	_ = 	snop  }
0x5: {  	_ = 	snop  }
0x6: {  	_ = 	snop  }
0x7: {  	_ = 	snop  }
__scs_overlays_trampoline_lowered:
0x8: {  	[smem:$0x3FAE] =	sst s0  }
0x9: {  	[smem:$0x3FAF] =	sst s1  }
0xa: {  	[smem:$0x3FB0] =	sst s2  }
0xb: {  	[smem:$0x3FB1] =	sst s3  }
0xc: {  	[smem:$0x3FB2] =	sst s4  }
0xd: {  	[smem:$0x3FB3] =	sst s5  }
0xe: {  	[smem:$0x3FB4] =	sst s6  }
0xf: {  	[smem:$0x3FB5] =	sst s7  }
0x10: {  	[smem:$0x3FB6] =	sst s8  }
0x11: {  	[smem:$0x3FB7] =	sst s9;
	s0 =	simm.s32 @!p0 $0x0  }
0x12: {  	s1 =	sld [smem:$0x3F9D];
	s0 =	simm.s32 @p0 $0x1  }
0x13: {  	[smem:$0x3FB8] =	sst s0;
	s0 =	simm.s32 @!p1 $0x0  }
0x14: {  	s2 =	sld [smem:$0x3F9C];
	s0 =	simm.s32 @p1 $0x1  }
0x15: {  	[smem:$0x3FB9] =	sst s0;
	s0 =	simm.s32 @!p2 $0x0  }
0x16: {  	s3 =	sld [smem:$0x3FDB];
	s0 =	simm.s32 @p2 $0x1  }
0x17: {  	s4 =	simm.s32 $0x1BF5;
	[smem:$0x3FBB] =	sst s0  }
0x18: {  	s0 =	sld [smem:$0x3F9E];
	_ =	swait.ge [sflag:s4], $0x0  }
0x19: {  	s7 =	sld [smem:$0x3F9F]  }
0x1a: {  	s8 =	sadd.s32 $0xFFFFE003, lr  }
0x1b: {  	s9 =	sadd.s32 $0xFFFFFEF7, lr;
	s5 =	simm.s32 $0xFFFFFFFF;
	p2 =	slt.u32 s8, $0xFFFFF086  }
0x1c: {  	p1 =	slt.u32 s9, $0xF7A;
	s5 =	simm.s32 @!p2 $0x0  }
0x1d: {  	s5 =	simm.s32 @p1 $0x1;
	p0 =	seq.s32 s7, s2  }
0x1e: {  	s7 =	smul.u32 @!p0 $0xF7A, s2;
	p2 =	seq.s32 @!p0 s5, $0x0  }
0x1f: {  	s9 =	smul.u32 $0xF7A, s1;
	s8 =	simm.s32 @!p0 $0x1BF5;
	p2 =	por !p2, p0  }
0x20: {  	[sflag:s8] =	ssyncset.s32 @!p0 $0xFFFFF086;
	s6 =	sadd.s32 @!p0 s3, s7;
	s7 =	simm.s32 @!p0 $0x108  }
0x21: {  	s3 =	sadd.s32 s3, s9;
	s6 =	sadd.s32 @!p0 $0x88, s6;
	s7 =	simm.s32 @p2 $0x1082  }
0x22: {  	[simem:s7], [sflag:s8] =	dma.local @!p0 [hbm:s6], $0xF7A  }
0x23: {  	s9 =	sor.u32 $0xD0000000, s2;
	s6 =	simm.s32 $0x108;
	_ =	swait.ge @!p0 [sflag:s8], $0x0  }
0x24: {  	s3 =	sadd.s32 $0x88, s3;
	s6 =	simm.s32 @!p1 $0x1082;
	[sflag:s4] =	ssyncset.s32 $0xFFFFF086  }
0x25: {  	[simem:s6], [sflag:s4] =	dma.local [hbm:s3], $0xF7A  }
0x26: {  	[smem:$0x3F9F] =	sst s1;
	(tag) =	ssettag s2;
	_ =	strace s9  }
0x27: {  	s1 =	sld [smem:$0x3FAF]  }
0x28: {  	s2 =	sld [smem:$0x3FB0]  }
0x29: {  	s4 =	sld [smem:$0x3FB2]  }
0x2a: {  	p0 =	seq.s32 s5, $0x0;
	s5 =	sld [smem:$0x3FB3]  }
0x2b: {  	s6 =	sld [smem:$0x3FB4]  }
0x2c: {  	s7 =	sld [smem:$0x3FB5]  }
0x2d: {  	s3 =	simm.s32 $0x108;
	s8 =	sld [smem:$0x3FB6]  }
0x2e: {  	s3 =	simm.s32 @!p0 $0x1082;
	s9 =	sld [smem:$0x3FB7]  }
0x2f: {  	lr =	sadd.s32 s0, s3;
	s0 =	sld [smem:$0x3FAE]  }
0x30: {  	s3 =	sld [smem:$0x3FB1]  }
0x31: {  	[smem:$0x3FBA] =	sst s10  }
0x32: {  	s10 =	sld [smem:$0x3FB8];
	_ =	sdelay $0x3  }
0x33: {  	p0 =	seq.s32 s10, $0x1;
	s10 =	sld [smem:$0x3FBA];
	_ =	sdelay $0x3  }
0x34: {  	[smem:$0x3FBA] =	sst s10  }
0x35: {  	s10 =	sld [smem:$0x3FB9];
	_ =	sdelay $0x3  }
0x36: {  	p1 =	seq.s32 s10, $0x1;
	s10 =	sld [smem:$0x3FBA];
	_ =	sdelay $0x3  }
0x37: {  	[smem:$0x3FBA] =	sst s10  }
0x38: {  	s10 =	sld [smem:$0x3FBB]  }
0x39: {  	_ = 	snop;
	(pc) =	sbr.ind lr, $3  }
0x3a: {  	_ = 	snop  }
0x3b: {  	_ = 	snop  }
0x3c: {  	p2 =	seq.s32 s10, $0x1;
	s10 =	sld [smem:$0x3FBA]  }
0x3d: {  	_ =	shalt  }
0x3e: {  	_ =	shalt  }
0x3f: {  	_ =	shalt  }
0x40: {  	_ =	shalt  }
0x41: {  	_ =	shalt  }
0x42: {  	_ =	shalt  }
0x43: {  	_ =	shalt  }
0x44: {  	_ =	shalt  }
0x45: {  	_ =	shalt  }
0x46: {  	_ =	shalt  }
0x47: {  	_ =	shalt  }
0x48: {  	_ =	shalt  }
0x49: {  	_ =	shalt  }
0x4a: {  	_ =	shalt  }
0x4b: {  	_ =	shalt  }
0x4c: {  	_ =	shalt  }
0x4d: {  	_ =	shalt  }
0x4e: {  	_ =	shalt  }
0x4f: {  	_ =	shalt  }
0x50: {  	_ =	shalt  }
0x51: {  	_ =	shalt  }
0x52: {  	_ =	shalt  }
0x53: {  	_ =	shalt  }
0x54: {  	_ =	shalt  }
0x55: {  	_ =	shalt  }
0x56: {  	_ =	shalt  }
0x57: {  	_ =	shalt  }
0x58: {  	_ =	shalt  }
0x59: {  	_ =	shalt  }
0x5a: {  	_ =	shalt  }
0x5b: {  	_ =	shalt  }
0x5c: {  	_ =	shalt  }
0x5d: {  	_ =	shalt  }
0x5e: {  	_ =	shalt  }
0x5f: {  	_ =	shalt  }
0x60: {  	_ =	shalt  }
0x61: {  	_ =	shalt  }
0x62: {  	_ =	shalt  }
0x63: {  	_ =	shalt  }
0x64: {  	_ =	shalt  }
0x65: {  	_ =	shalt  }
0x66: {  	_ =	shalt  }
0x67: {  	_ =	shalt  }
0x68: {  	_ =	shalt  }
0x69: {  	_ =	shalt  }
0x6a: {  	_ =	shalt  }
0x6b: {  	_ =	shalt  }
0x6c: {  	_ =	shalt  }
0x6d: {  	_ =	shalt  }
0x6e: {  	_ =	shalt  }
0x6f: {  	_ =	shalt  }
0x70: {  	_ =	shalt  }
0x71: {  	_ =	shalt  }
0x72: {  	_ =	shalt  }
0x73: {  	_ =	shalt  }
0x74: {  	_ =	shalt  }
0x75: {  	_ =	shalt  }
0x76: {  	_ =	shalt  }
0x77: {  	_ =	shalt  }
0x78: {  	_ =	shalt  }
0x79: {  	_ =	shalt  }
0x7a: {  	_ =	shalt  }
0x7b: {  	_ =	shalt  }
0x7c: {  	_ =	shalt  }
0x7d: {  	_ =	shalt  }
0x7e: {  	_ =	shalt  }
0x7f: {  	_ =	shalt  }
0x80: {  	_ =	shalt  }
0x81: {  	_ =	shalt  }
0x82: {  	_ =	shalt  }
0x83: {  	_ =	shalt  }
0x84: {  	_ =	shalt  }
0x85: {  	_ =	shalt  }
0x86: {  	_ =	shalt  }
0x87: {  	_ =	shalt  }
.Lfunc_end0:
.L_simem_size_0:
called_computation.1_lowered:
.L_overlay_start_0:
0x88: {  	s2 =	sld [smem:$0x3FD9]  }
0x89: {  	s3 =	sld [smem:$0x3FFE];
	_ =	sdelay $0x1  }
0x8a: {  	s1 =	srdreg.scid  }
0x8b: {  	s0 =	sand.u32 $0x1, s1  }
0x8c: {  	s17 =	sshll.u32 s0, $0xA;
	s2 =	sadd.s32 s3, s2  }
0x8d: {  	s2 =	sadd.s32 s2, s17  }
0x8e: {  	[smem:$0x3FC6] =	sst s2  }
0x8f: {  	_ = 	snop  }
0x90: {  	s2 =	sld [smem:$0x3FD0];
	(tm) =	ssettm $0x1  }
0x91: {  	s18 =	sld [smem:$0x3FFB];
	_ =	sdelay $0x3  }
0x92: {  	_ =	strace s18  }
0x93: {  	s3 =	sld [smem:$0x3FFC];
	_ =	sdelay $0x3  }
0x94: {  	_ =	strace s3  }
0x95: {  	s3 =	sld [smem:$0x3FFD];
	_ =	sdelay $0x3  }
0x96: {  	_ =	strace s3  }
0x97: {  	_ =	strace $0x8FFFFFFF  }
0x98: {  	s19 =	sld [smem:$0x3FDB];
	_ =	sdelay $0x1  }
0x99: {  	s4 =	simm.s32 $_scs_section_size  }
0x9a: {  	s5 =	simm.s32 $_size__tile_overlayer_lowered;
	s6 =	simm.s32 $_tile_overlayer_lowered  }
0x9b: {  	s22 =	simm.s32 $0x1BFF;
	s21 =	sshll.u32 s6, $0x1;
	s3 =	sadd.s32 s4, s19  }
0x9c: {  	s7 =	simm.s32 $0x0;
	s20 =	sshll.u32 s5, $0x1;
	s5 =	sadd.s32 s21, s3  }
0x9d: {  	[timem:s7], [sflag:s22] =	dma.local [hbm:s5], s20  }
0x9e: {  	_ =	swait.ge [sflag:s22], s20  }
0x9f: {  	s4 =	ssub.s32 $0x0, s20;
	[sflag:s22] =	ssyncset.done $0x0  }
0xa0: {  	[sflag:s22] =	ssyncadd.s32 s4;
	_ =	sdelay $0x1  }
0xa1: {  	s23 =	simm.s32 $0x1B8B  }
0xa2: {  	_ =	swait.ge [sflag:s23], $0x1  }
0xa3: {  	[sflag:s23] =	ssyncset.done $0x0  }
0xa4: {  	s25 =	simm.s32 $0x1B8E;
	s24 =	sld [smem:$0x3FFE];
	[sflag:s23] =	ssyncadd.s32 $0xFFFFFFFF  }
0xa5: {  	s26 =	simm.s32 $execute0_lowered;
	[smem:$0x3FD2] =	sst s25  }
0xa6: {  	s5 =	sshll.u32 s26, $0x1;
	_ =	strace $0x80000046;
	[dreg:$0x1] =	wrdreg $0xFFFFFFFF  }
0xa7: {  	s28 =	simm.s32 $_size_execute0_lowered;
	s3 =	sadd.s32 s3, s5;
	[dreg:$0x0] =	wrdreg $0x0  }
0xa8: {  	s5 =	sshll.u32 s28, $0x1;
	[dreg:$0x2] =	wrdreg s3  }
0xa9: {  	[dreg:$0x3] =	wrdreg s5  }
0xaa: {  	[dreg:$0x4] =	wrdreg $0xC0  }
0xab: {  	_ =	task [dreg:s7], $0x5FFFF  }
0xac: {  	[dreg:$0x1] =	wrdreg $0xFFFFFFFF  }
0xad: {  	[dreg:$0x0] =	wrdreg $0x60  }
0xae: {  	[dreg:$0x2] =	wrdreg s2  }
0xaf: {  	[dreg:$0x3] =	wrdreg s24  }
0xb0: {  	[dreg:$0x4] =	wrdreg $0x9  }
0xb1: {  	_ =	task.clear_ibuf [dreg:s7], $0x5FFFF;
	_ =	strace $0x90000046  }
0xb2: {  	s29 =	simm.s32 $0x9;
	_ =	strace $0x80000048  }
0xb3: {  	_ =	swait.ge [sflag:s29], $0x1  }
0xb4: {  	[sflag:s29] =	ssyncadd.s32 $0xFFFFFFFF  }
0xb5: {  	_ =	strace $0x90000048  }
0xb6: {  	_ =	sfence  }
0xb7: {  	s30 =	sld [smem:$0x0];
	_ =	sdelay $0x2  }
0xb8: {  	s31 =	sshll.u32 s1, $0xD;
	s1 =	sshrl.u32 s1, $0x2  }
0xb9: {  	s3 =	sand.u32 $0x4000, s31;
	s1 =	sadd.s32 s1, s30  }
0xba: {  	s0 =	sor.u32 s3, s0;
	s1 =	sshll.u32 s1, $0x11  }
0xbb: {  	s0 =	sor.u32 s1, s0  }
0xbc: {  	s0 =	sadd.s32 $0x8F2B, s0  }
0xbd: {  	[sflag:s0] =	ssyncadd.remote.s32 $0x1  }
0xbe: {  	_ =	sfence.sel $0xFFFF  }
0xbf: {  	[dreg:$0x0] =	wrdreg $0xFFFFFFFF;
	(pc) =	sbr.abs _section_cstart, $3  }
0xc0: {  	[dreg:$0x1] =	wrdreg $0xFFFFFFFF  }
0xc1: {  	_ =	task.clear_ibuf [dreg:s7], $0x2FFFF;
	_ =	strace $0x9FFFFFFF  }
0xc2: {  	(tm) =	ssettm $0x7FFFFFFF  }
0xc3: {  	_ =	shalt  }
tec
execute0_lowered:
.L_overlay_start_1:
0x0: {  	(tag) =	ssettag $0x1  }
0x1: {  	s0 =	srdreg.scid  }
0x2: {  	s1 =	rddreg [dreg:$0x0];
	s3 =	stileid.u32  }
0x3: {  	s2 =	rddreg [dreg:$0x1];
	s5 =	simm.s32 $0x0;
	s10 =	simm.s32 $0x64  }
0x4: {  	s11 =	simm.s32 $0x6800;
	s13 =	simm.s32 $0x8100;
	s14 =	simm.s32 $0x9A00  }
0x5: {  	s15 =	simm.s32 $0x1;
	s16 =	simm.s32 $0x40;
	s17 =	simm.s32 $0x80  }
0x6: {  	s18 =	simm.s32 $0x7480;
	s19 =	simm.s32 $0xB300;
	s20 =	simm.s32 $0x2  }
0x7: {  	s21 =	simm.s32 $0x8D80;
	s22 =	simm.s32 $0x5;
	s23 =	simm.s32 $0x3  }
0x8: {  	s24 =	simm.s32 $0xA680;
	s25 =	simm.s32 $0x6;
	s26 =	simm.s32 $0x4  }
0x9: {  	s28 =	simm.s32 $0xBF80;
	s29 =	simm.s32 $0x7;
	s0 =	sand.u32 $0x1, s0  }
0xa: {  	s3 =	sshll.u32 s3, $0x9;
	s4 =	sshll.u32 s0, $0x8;
	s0 =	ssub.s32 $0x2, s0  }
0xb: {  	s30 =	simm.s32 $0x8;
	s3 =	sor.u32 s4, s3;
	s7 =	sshrl.u32 s0, $0x1  }
0xc: {  	s31 =	simm.s32 $0x0;
	s6 =	smul.u32 $0xD, s3;
	s0 =	ssub.s32 s0, s7  }
0xd: {  	[smem:$0x7FF] =	sst s5;
	s5 =	sadd.s32 $0xA00, s2;
	s0 =	smax.u32 s0, $0x1  }
0xe: {  	_ =	strace $0x80000047;
	s1 =	sadd.s32 s1, s6;
	[dreg:$0x4] =	wrdreg s0  }
0xf: {  	s4 =	sadd.s32 $0xF42E00, s2;
	s7 =	sadd.s32 $0xD80, s2;
	[dreg:$0x3] =	wrdreg s1  }
.LBB2_1:
0x10: {  	s0 =	simm.s32 $0x0;
	s1 =	rddreg [dreg:$0x3];
	s9 =	simm.s32 $0x9  }
0x11: {  	[tilespmem:s0], [sflag:$0x9] =	stream.linear.gather [hbm4b:s1+s0], $0x6800, $0x38;
	[tilespmem:$0xCC00] =	vst v63  }
0x12: {  	_ =	swait.ge [sflag:s9], $0x6800  }
0x13: {  	[sflag:s9] =	ssyncset.done $0x0  }
0x14: {  	[sflag:s9] =	ssyncadd.s32 $0xFFFF9800  }
0x15: {  	[tilespmem:s11], [sflag:$0x1] =	stream.indirect.gather [hbm4b:s4+s10], $0x40, s0, s10, $0xb8;
	[tilespmem:$0xCC00] =	vst v63  }
0x16: {  	s12 =	simm.s32 $0x68;
	s1 =	simm.s32 $0x0  }
0x17: {  	[tilespmem:s13], [sflag:$0x2] =	stream.indirect.gather [hbm4b:s4+s10], $0x40, s12, s10, $0xb8;
	[tilespmem:$0xCC00] =	vst v63  }
.LBB2_2:
0x18: {  	p0 =	seq.s32 s1, $0x0  }
0x19: {  	s2 =	simm.s32 @!p0 $0x7  }
0x1a: {  	_ =	swait.ge @!p0 [sflag:s2], $0xC80  }
0x1b: {  	s0 =	sshll.u32 s1, $0x2;
	[sflag:s2] =	ssyncset.done @!p0 $0x0  }
0x1c: {  	s12 =	sor.u32 $0x2, s0;
	[sflag:s2] =	ssyncadd.s32 @!p0 $0xFFFFF380  }
0x1d: {  	s6 =	smul.u32 $0x1A0, s12;
	_ =	swait.ge @!p0 [sflag:s2], $0xC80  }
0x1e: {  	[sflag:s2] =	ssyncset.done @!p0 $0x0  }
0x1f: {  	s9 =	sshra.s32 s6, $0x2;
	[sflag:s2] =	ssyncadd.s32 @!p0 $0xFFFFF380  }
0x20: {  	[tilespmem:s14], [sflag:$0x3] =	stream.indirect.gather [hbm4b:s4+s10], $0x40, s9, s10, $0xb8;
	[tilespmem:$0xCC00] =	vst v63  }
0x21: {  	_ =	swait.ge [sflag:s15], $0x1900  }
0x22: {  	[sflag:s15] =	ssyncset.done $0x0  }
0x23: {  	s6 =	simm.s32 $0x6840;
	[sflag:s15] =	ssyncadd.s32 $0xFFFFE700  }
0x24: {  	v1 =	vld [tilespmem:s6+$0xFFFFFFC0];
	_ =	sdelay $0x1  }
0x25: {  	v4 =	vld [tilespmem:s6+$0xFFFFFFD0]  }
0x26: {  	v6 =	vld [tilespmem:s6+$0xFFFFFFE0]  }
0x27: {  	v2 =	vld [tilespmem:s6+$0x0]  }
0x28: {  	v0 =	vld [tilespmem:s6+$0x10];
	v5 =	vmul.f32 $8.000000000e+00, v1  }
0x29: {  	v3 =	vld [tilespmem:s6+$0x20]  }
0x2a: {  	v1 =	vld [tilespmem:s6+$0x30];
	[tilespmem:s6+$0xFFFFFFC0] =	vst v5;
	v5 =	vmul.f32 $8.000000000e+00, v4  }
0x2b: {  	s8 =	simm.s32 $0x68C0;
	s2 =	simm.s32 $0x0;
	v6 =	vmul.f32 $8.000000000e+00, v6;
	v4 =	vld [tilespmem:s6+$0xFFFFFFF0]  }
.LBB2_3:
0x2c: {  	v7 =	vld [tilespmem:s8+$0xFFFFFFC0];
	[tilespmem:s6+$0xFFFFFFD0] =	vst v5;
	v2 =	vmul.f32 $8.000000000e+00, v2  }
0x2d: {  	s2 =	sadd.s32 $0x2, s2;
	v5 =	vld [tilespmem:s8+$0xFFFFFFD0];
	[tilespmem:s6+$0xFFFFFFE0] =	vst v6;
	v0 =	vmul.f32 $8.000000000e+00, v0  }
0x2e: {  	p1 =	slt.u32 s2, $0x62;
	v6 =	vld [tilespmem:s8+$0xFFFFFFE0];
	[tilespmem:s6+$0x0] =	vst v2;
	v3 =	vmul.f32 $8.000000000e+00, v3  }
.Ltmp0:
0x2f: {  	v2 =	vld [tilespmem:s8+$0x0];
	[tilespmem:s6+$0x10] =	vst v0;
	v1 =	vmul.f32 $8.000000000e+00, v1;
	(pc) =	sbr.rel @p1 .LBB2_3-.Ltmp0, $4  }
0x30: {  	v0 =	vld [tilespmem:s8+$0x10];
	v4 =	vmul.f32 $8.000000000e+00, v4;
	[tilespmem:s6+$0x20] =	vst v3  }
0x31: {  	v7 =	vmul.f32 $8.000000000e+00, v7;
	v3 =	vld [tilespmem:s8+$0x20];
	[tilespmem:s6+$0x30] =	vst v1  }
0x32: {  	v5 =	vmul.f32 $8.000000000e+00, v5;
	v1 =	vld [tilespmem:s8+$0x30];
	[tilespmem:s6+$0xFFFFFFF0] =	vst v4;
	s6 =	smov.u32 s8  }
0x33: {  	s8 =	sadd.s32 $0x80, s8;
	[tilespmem:s6+$0xFFFFFFC0] =	vst v7;
	v6 =	vmul.f32 $8.000000000e+00, v6;
	v4 =	vld [tilespmem:s6+$0xFFFFFFF0]  }
0x34: {  	[tilespmem:s6+$0xFFFFFFD0] =	vst v5;
	v2 =	vmul.f32 $8.000000000e+00, v2  }
0x35: {  	[tilespmem:s6+$0xFFFFFFE0] =	vst v6;
	v0 =	vmul.f32 $8.000000000e+00, v0  }
0x36: {  	[tilespmem:s6+$0x0] =	vst v2;
	v2 =	vmul.f32 $8.000000000e+00, v3  }
0x37: {  	s2 =	sor.u32 s3, s0;
	[tilespmem:s6+$0x10] =	vst v0;
	v0 =	vmul.f32 $8.000000000e+00, v1  }
0x38: {  	s8 =	smul.u32 $0x700, s2;
	v1 =	vmul.f32 $8.000000000e+00, v4;
	[tilespmem:s6+$0x20] =	vst v2  }
0x39: {  	[tilespmem:s6+$0x30] =	vst v0  }
0x3a: {  	s9 =	sadd.s32 s5, s8;
	[tilespmem:s6+$0xFFFFFFF0] =	vst v1  }
0x3b: {  	[hbm4b:s9+s16] =	stream.strided.scatter [tilespmem:s11], [sflag:$0x5], $0xC80, s17, s16, $0x38;
	[tilespmem:$0xCC00] =	vst v63  }
0x3c: {  	s8 =	sadd.s32 s8, s7;
	s6 =	simm.s32 @!p0 $0x8  }
0x3d: {  	[hbm4b:s8+s16] =	stream.strided.scatter [tilespmem:s18], [sflag:$0x5], $0xC80, s17, s16, $0x38;
	[tilespmem:$0xCC00] =	vst v63  }
0x3e: {  	_ =	swait.ge @!p0 [sflag:s6], $0xC80  }
0x3f: {  	[sflag:s6] =	ssyncset.done @!p0 $0x0  }
0x40: {  	s0 =	sor.u32 $0x3, s0;
	[sflag:s6] =	ssyncadd.s32 @!p0 $0xFFFFF380  }
0x41: {  	s9 =	smul.u32 $0x1A0, s0;
	_ =	swait.ge @!p0 [sflag:s6], $0xC80  }
0x42: {  	[sflag:s6] =	ssyncset.done @!p0 $0x0  }
0x43: {  	s9 =	sshra.s32 s9, $0x2;
	[sflag:s6] =	ssyncadd.s32 @!p0 $0xFFFFF380  }
0x44: {  	[tilespmem:s19], [sflag:$0x4] =	stream.indirect.gather [hbm4b:s4+s10], $0x40, s9, s10, $0xb8;
	[tilespmem:$0xCC00] =	vst v63  }
0x45: {  	_ =	swait.ge [sflag:s20], $0x1900  }
0x46: {  	[sflag:s20] =	ssyncset.done $0x0  }
0x47: {  	s6 =	simm.s32 $0x8170;
	[sflag:s20] =	ssyncadd.s32 $0xFFFFE700  }
0x48: {  	v1 =	vld [tilespmem:s6+$0xFFFFFF90]  }
0x49: {  	v4 =	vld [tilespmem:s6+$0xFFFFFFA0]  }
0x4a: {  	v6 =	vld [tilespmem:s6+$0xFFFFFFB0]  }
0x4b: {  	v2 =	vld [tilespmem:s6+$0xFFFFFFC0]  }
0x4c: {  	v0 =	vld [tilespmem:s6+$0xFFFFFFD0]  }
0x4d: {  	v3 =	vld [tilespmem:s6+$0xFFFFFFE0];
	v7 =	vmul.f32 $8.000000000e+00, v1  }
0x4e: {  	v1 =	vld [tilespmem:s6+$0x0];
	v5 =	vmul.f32 $8.000000000e+00, v4  }
0x4f: {  	s8 =	simm.s32 $0x0;
	s9 =	simm.s32 $0x81F0;
	v6 =	vmul.f32 $8.000000000e+00, v6;
	v4 =	vld [tilespmem:s6+$0xFFFFFFF0];
	[tilespmem:s6+$0xFFFFFF90] =	vst v7  }
.LBB2_5:
0x50: {  	v7 =	vld [tilespmem:s9+$0xFFFFFF90];
	[tilespmem:s6+$0xFFFFFFA0] =	vst v5;
	v2 =	vmul.f32 $8.000000000e+00, v2  }
0x51: {  	s8 =	sadd.s32 $0x2, s8;
	v5 =	vld [tilespmem:s9+$0xFFFFFFA0];
	[tilespmem:s6+$0xFFFFFFB0] =	vst v6;
	v0 =	vmul.f32 $8.000000000e+00, v0  }
0x52: {  	p0 =	slt.u32 s8, $0x62;
	v6 =	vld [tilespmem:s9+$0xFFFFFFB0];
	[tilespmem:s6+$0xFFFFFFC0] =	vst v2;
	v3 =	vmul.f32 $8.000000000e+00, v3  }
.Ltmp1:
0x53: {  	v2 =	vld [tilespmem:s9+$0xFFFFFFC0];
	[tilespmem:s6+$0xFFFFFFD0] =	vst v0;
	v1 =	vmul.f32 $8.000000000e+00, v1;
	(pc) =	sbr.rel @p0 .LBB2_5-.Ltmp1, $4  }
0x54: {  	v0 =	vld [tilespmem:s9+$0xFFFFFFD0];
	[tilespmem:s6+$0xFFFFFFE0] =	vst v3;
	v4 =	vmul.f32 $8.000000000e+00, v4  }
0x55: {  	v7 =	vmul.f32 $8.000000000e+00, v7;
	v3 =	vld [tilespmem:s9+$0xFFFFFFE0];
	[tilespmem:s6+$0x0] =	vst v1  }
0x56: {  	v5 =	vmul.f32 $8.000000000e+00, v5;
	v1 =	vld [tilespmem:s9+$0x0];
	[tilespmem:s6+$0xFFFFFFF0] =	vst v4;
	s6 =	smov.u32 s9  }
0x57: {  	s9 =	sadd.s32 $0x80, s9;
	[tilespmem:s6+$0xFFFFFF90] =	vst v7;
	v6 =	vmul.f32 $8.000000000e+00, v6;
	v4 =	vld [tilespmem:s6+$0xFFFFFFF0]  }
0x58: {  	[tilespmem:s6+$0xFFFFFFA0] =	vst v5;
	v2 =	vmul.f32 $8.000000000e+00, v2  }
0x59: {  	s2 =	sor.u32 $0x1, s2;
	[tilespmem:s6+$0xFFFFFFB0] =	vst v6;
	v0 =	vmul.f32 $8.000000000e+00, v0  }
0x5a: {  	s8 =	smul.u32 $0x700, s2;
	[tilespmem:s6+$0xFFFFFFC0] =	vst v2;
	v2 =	vmul.f32 $8.000000000e+00, v3  }
0x5b: {  	s2 =	smul.u32 $0x3800, s2;
	[tilespmem:s6+$0xFFFFFFD0] =	vst v0;
	v0 =	vmul.f32 $8.000000000e+00, v1  }
0x5c: {  	[tilespmem:s6+$0xFFFFFFE0] =	vst v2;
	v1 =	vmul.f32 $8.000000000e+00, v4  }
0x5d: {  	s2 =	sshrl.u32 s2, $0x3;
	[tilespmem:s6+$0x0] =	vst v0  }
0x5e: {  	s9 =	sadd.s32 s5, s8;
	s2 =	sadd.s32 s5, s2;
	[tilespmem:s6+$0xFFFFFFF0] =	vst v1  }
0x5f: {  	[hbm4b:s9+s16] =	stream.strided.scatter [tilespmem:s13], [sflag:$0x6], $0xC80, s17, s16, $0x38;
	[tilespmem:$0xCC00] =	vst v63  }
0x60: {  	s2 =	sadd.s32 $0x380, s2  }
0x61: {  	[hbm4b:s2+s16] =	stream.strided.scatter [tilespmem:s21], [sflag:$0x6], $0xC80, s17, s16, $0x38;
	[tilespmem:$0xCC00] =	vst v63  }
0x62: {  	_ =	swait.ge [sflag:s22], $0xC80  }
0x63: {  	p0 =	seq.s32 s1, $0x3F;
	[sflag:s22] =	ssyncset.done $0x0  }
0x64: {  	s2 =	smul.u32 @!p0 $0x680, s1;
	[sflag:s22] =	ssyncadd.s32 $0xFFFFF380  }
0x65: {  	_ =	swait.ge [sflag:s22], $0xC80  }
0x66: {  	s8 =	simm.s32 @!p0 $0x64;
	s2 =	sshra.s32 @!p0 s2, $0x2;
	[sflag:s22] =	ssyncset.done $0x0  }
0x67: {  	s9 =	simm.s32 @!p0 $0x6800;
	s6 =	sadd.s32 @!p0 $0x1A0, s2;
	[sflag:s22] =	ssyncadd.s32 $0xFFFFF380  }
0x68: {  	[tilespmem:s9], [sflag:$0x1] =	stream.indirect.gather @!p0 [hbm4b:s4+s8], $0x40, s6, s8, $0xb8;
	[tilespmem:$0xCC00] =	vst v63  }
0x69: {  	_ =	swait.ge [sflag:s23], $0x1900  }
0x6a: {  	[sflag:s23] =	ssyncset.done $0x0  }
0x6b: {  	s6 =	simm.s32 $0x9A70;
	[sflag:s23] =	ssyncadd.s32 $0xFFFFE700  }
0x6c: {  	v1 =	vld [tilespmem:s6+$0xFFFFFF90]  }
0x6d: {  	v4 =	vld [tilespmem:s6+$0xFFFFFFA0]  }
0x6e: {  	v6 =	vld [tilespmem:s6+$0xFFFFFFB0]  }
0x6f: {  	v2 =	vld [tilespmem:s6+$0xFFFFFFC0]  }
0x70: {  	v0 =	vld [tilespmem:s6+$0xFFFFFFD0]  }
0x71: {  	v3 =	vld [tilespmem:s6+$0xFFFFFFE0];
	v7 =	vmul.f32 $8.000000000e+00, v1  }
0x72: {  	v1 =	vld [tilespmem:s6+$0x0];
	v5 =	vmul.f32 $8.000000000e+00, v4  }
0x73: {  	s8 =	simm.s32 $0x0;
	s9 =	simm.s32 $0x9AF0;
	v6 =	vmul.f32 $8.000000000e+00, v6;
	v4 =	vld [tilespmem:s6+$0xFFFFFFF0];
	[tilespmem:s6+$0xFFFFFF90] =	vst v7  }
.LBB2_7:
0x74: {  	v7 =	vld [tilespmem:s9+$0xFFFFFF90];
	[tilespmem:s6+$0xFFFFFFA0] =	vst v5;
	v2 =	vmul.f32 $8.000000000e+00, v2  }
0x75: {  	s8 =	sadd.s32 $0x2, s8;
	v5 =	vld [tilespmem:s9+$0xFFFFFFA0];
	[tilespmem:s6+$0xFFFFFFB0] =	vst v6;
	v0 =	vmul.f32 $8.000000000e+00, v0  }
0x76: {  	p1 =	slt.u32 s8, $0x62;
	v6 =	vld [tilespmem:s9+$0xFFFFFFB0];
	[tilespmem:s6+$0xFFFFFFC0] =	vst v2;
	v3 =	vmul.f32 $8.000000000e+00, v3  }
.Ltmp2:
0x77: {  	v2 =	vld [tilespmem:s9+$0xFFFFFFC0];
	[tilespmem:s6+$0xFFFFFFD0] =	vst v0;
	v1 =	vmul.f32 $8.000000000e+00, v1;
	(pc) =	sbr.rel @p1 .LBB2_7-.Ltmp2, $4  }
0x78: {  	v0 =	vld [tilespmem:s9+$0xFFFFFFD0];
	[tilespmem:s6+$0xFFFFFFE0] =	vst v3;
	v4 =	vmul.f32 $8.000000000e+00, v4  }
0x79: {  	v7 =	vmul.f32 $8.000000000e+00, v7;
	v3 =	vld [tilespmem:s9+$0xFFFFFFE0];
	[tilespmem:s6+$0x0] =	vst v1  }
0x7a: {  	v5 =	vmul.f32 $8.000000000e+00, v5;
	v1 =	vld [tilespmem:s9+$0x0];
	[tilespmem:s6+$0xFFFFFFF0] =	vst v4;
	s6 =	smov.u32 s9  }
0x7b: {  	s9 =	sadd.s32 $0x80, s9;
	[tilespmem:s6+$0xFFFFFF90] =	vst v7;
	v6 =	vmul.f32 $8.000000000e+00, v6;
	v4 =	vld [tilespmem:s6+$0xFFFFFFF0]  }
0x7c: {  	[tilespmem:s6+$0xFFFFFFA0] =	vst v5;
	v2 =	vmul.f32 $8.000000000e+00, v2  }
0x7d: {  	s8 =	sor.u32 s3, s12;
	[tilespmem:s6+$0xFFFFFFB0] =	vst v6;
	v0 =	vmul.f32 $8.000000000e+00, v0  }
0x7e: {  	s9 =	smul.u32 $0x700, s8;
	[tilespmem:s6+$0xFFFFFFC0] =	vst v2;
	v2 =	vmul.f32 $8.000000000e+00, v3  }
0x7f: {  	s8 =	smul.u32 $0x3800, s8;
	[tilespmem:s6+$0xFFFFFFD0] =	vst v0;
	v0 =	vmul.f32 $8.000000000e+00, v1  }
0x80: {  	[tilespmem:s6+$0xFFFFFFE0] =	vst v2;
	v1 =	vmul.f32 $8.000000000e+00, v4  }
0x81: {  	s12 =	sshrl.u32 s8, $0x3;
	[tilespmem:s6+$0x0] =	vst v0  }
0x82: {  	s9 =	sadd.s32 s5, s9;
	[tilespmem:s6+$0xFFFFFFF0] =	vst v1;
	s6 =	sadd.s32 s5, s12  }
0x83: {  	[hbm4b:s9+s16] =	stream.strided.scatter [tilespmem:s14], [sflag:$0x7], $0xC80, s17, s16, $0x38;
	[tilespmem:$0xCC00] =	vst v63  }
0x84: {  	s6 =	sadd.s32 $0x380, s6  }
0x85: {  	[hbm4b:s6+s16] =	stream.strided.scatter [tilespmem:s24], [sflag:$0x7], $0xC80, s17, s16, $0x38;
	[tilespmem:$0xCC00] =	vst v63  }
0x86: {  	_ =	swait.ge [sflag:s25], $0xC80  }
0x87: {  	[sflag:s25] =	ssyncset.done $0x0  }
0x88: {  	[sflag:s25] =	ssyncadd.s32 $0xFFFFF380  }
0x89: {  	_ =	swait.ge [sflag:s25], $0xC80  }
0x8a: {  	s2 =	sadd.s32 @!p0 $0x208, s2;
	[sflag:s25] =	ssyncset.done $0x0  }
0x8b: {  	s8 =	simm.s32 @!p0 $0x8100;
	s6 =	simm.s32 @!p0 $0x64;
	[sflag:s25] =	ssyncadd.s32 $0xFFFFF380  }
0x8c: {  	[tilespmem:s8], [sflag:$0x2] =	stream.indirect.gather @!p0 [hbm4b:s4+s6], $0x40, s2, s6, $0xb8;
	[tilespmem:$0xCC00] =	vst v63  }
0x8d: {  	_ =	swait.ge [sflag:s26], $0x1900  }
0x8e: {  	[sflag:s26] =	ssyncset.done $0x0  }
0x8f: {  	s2 =	simm.s32 $0xB370;
	[sflag:s26] =	ssyncadd.s32 $0xFFFFE700  }
0x90: {  	v1 =	vld [tilespmem:s2+$0xFFFFFF90]  }
0x91: {  	v4 =	vld [tilespmem:s2+$0xFFFFFFA0]  }
0x92: {  	v6 =	vld [tilespmem:s2+$0xFFFFFFB0]  }
0x93: {  	v2 =	vld [tilespmem:s2+$0xFFFFFFC0]  }
0x94: {  	v0 =	vld [tilespmem:s2+$0xFFFFFFD0]  }
0x95: {  	v3 =	vld [tilespmem:s2+$0xFFFFFFE0];
	v7 =	vmul.f32 $8.000000000e+00, v1  }
0x96: {  	v1 =	vld [tilespmem:s2+$0x0];
	v5 =	vmul.f32 $8.000000000e+00, v4  }
0x97: {  	s6 =	simm.s32 $0x0;
	s8 =	simm.s32 $0xB3F0;
	v6 =	vmul.f32 $8.000000000e+00, v6;
	v4 =	vld [tilespmem:s2+$0xFFFFFFF0];
	[tilespmem:s2+$0xFFFFFF90] =	vst v7  }
.LBB2_9:
0x98: {  	v7 =	vld [tilespmem:s8+$0xFFFFFF90];
	[tilespmem:s2+$0xFFFFFFA0] =	vst v5;
	v2 =	vmul.f32 $8.000000000e+00, v2  }
0x99: {  	s6 =	sadd.s32 $0x2, s6;
	v5 =	vld [tilespmem:s8+$0xFFFFFFA0];
	[tilespmem:s2+$0xFFFFFFB0] =	vst v6;
	v0 =	vmul.f32 $8.000000000e+00, v0  }
0x9a: {  	p0 =	slt.u32 s6, $0x62;
	v6 =	vld [tilespmem:s8+$0xFFFFFFB0];
	[tilespmem:s2+$0xFFFFFFC0] =	vst v2;
	v3 =	vmul.f32 $8.000000000e+00, v3  }
.Ltmp3:
0x9b: {  	v2 =	vld [tilespmem:s8+$0xFFFFFFC0];
	[tilespmem:s2+$0xFFFFFFD0] =	vst v0;
	v1 =	vmul.f32 $8.000000000e+00, v1;
	(pc) =	sbr.rel @p0 .LBB2_9-.Ltmp3, $4  }
0x9c: {  	v0 =	vld [tilespmem:s8+$0xFFFFFFD0];
	[tilespmem:s2+$0xFFFFFFE0] =	vst v3;
	v4 =	vmul.f32 $8.000000000e+00, v4  }
0x9d: {  	v7 =	vmul.f32 $8.000000000e+00, v7;
	v3 =	vld [tilespmem:s8+$0xFFFFFFE0];
	[tilespmem:s2+$0x0] =	vst v1  }
0x9e: {  	v5 =	vmul.f32 $8.000000000e+00, v5;
	v1 =	vld [tilespmem:s8+$0x0];
	[tilespmem:s2+$0xFFFFFFF0] =	vst v4;
	s2 =	smov.u32 s8  }
0x9f: {  	s8 =	sadd.s32 $0x80, s8;
	[tilespmem:s2+$0xFFFFFF90] =	vst v7;
	v6 =	vmul.f32 $8.000000000e+00, v6;
	v4 =	vld [tilespmem:s2+$0xFFFFFFF0]  }
0xa0: {  	[tilespmem:s2+$0xFFFFFFA0] =	vst v5;
	v2 =	vmul.f32 $8.000000000e+00, v2  }
0xa1: {  	s0 =	sor.u32 s3, s0;
	[tilespmem:s2+$0xFFFFFFB0] =	vst v6;
	v0 =	vmul.f32 $8.000000000e+00, v0  }
0xa2: {  	s6 =	smul.u32 $0x700, s0;
	[tilespmem:s2+$0xFFFFFFC0] =	vst v2;
	v61 =	vmul.f32 $8.000000000e+00, v3  }
0xa3: {  	s1 =	sadd.s32 $0x1, s1;
	s0 =	smul.u32 $0x3800, s0;
	[tilespmem:s2+$0xFFFFFFD0] =	vst v0;
	v62 =	vmul.f32 $8.000000000e+00, v1  }
0xa4: {  	p0 =	sne.s32 s1, $0x40;
	[tilespmem:s2+$0xFFFFFFE0] =	vst v61;
	v63 =	vmul.f32 $8.000000000e+00, v4  }
.Ltmp4:
0xa5: {  	s0 =	sshrl.u32 s0, $0x3;
	[tilespmem:s2+$0x0] =	vst v62;
	(pc) =	sbr.rel @p0 .LBB2_2-.Ltmp4, $4  }
0xa6: {  	s12 =	sadd.s32 s5, s6;
	s0 =	sadd.s32 s5, s0;
	[tilespmem:s2+$0xFFFFFFF0] =	vst v63  }
0xa7: {  	[hbm4b:s12+s16] =	stream.strided.scatter [tilespmem:s19], [sflag:$0x8], $0xC80, s17, s16, $0x38;
	[tilespmem:$0xCC00] =	vst v63  }
0xa8: {  	s0 =	sadd.s32 $0x380, s0  }
0xa9: {  	[hbm4b:s0+s16] =	stream.strided.scatter [tilespmem:s28], [sflag:$0x8], $0xC80, s17, s16, $0x38;
	[tilespmem:$0xCC00] =	vst v63  }
0xaa: {  	_ =	swait.ge [sflag:s29], $0xC80  }
0xab: {  	[sflag:s29] =	ssyncset.done $0x0  }
0xac: {  	[sflag:s29] =	ssyncadd.s32 $0xFFFFF380  }
0xad: {  	_ =	swait.ge [sflag:s29], $0xC80  }
0xae: {  	[sflag:s29] =	ssyncset.done $0x0  }
0xaf: {  	[sflag:s29] =	ssyncadd.s32 $0xFFFFF380  }
0xb0: {  	_ =	swait.ge [sflag:s30], $0xC80  }
0xb1: {  	[sflag:s30] =	ssyncset.done $0x0  }
0xb2: {  	[sflag:s30] =	ssyncadd.s32 $0xFFFFF380  }
0xb3: {  	_ =	swait.ge [sflag:s30], $0xC80  }
0xb4: {  	s31 =	sadd.s32 $0x1, s31;
	s0 =	rddreg [dreg:$0x4]  }
0xb5: {  	p0 =	sne.s32 s31, s0  }
.Ltmp5:
0xb6: {  	_ = 	snop;
	(pc) =	sbr.rel @p0 .LBB2_1-.Ltmp5, $3  }
0xb7: {  	_ =	sdelay $0x1  }
0xb8: {  	[sflag:s30] =	ssyncset.done $0x0  }
0xb9: {  	[sflag:s30] =	ssyncadd.s32 $0xFFFFF380  }
0xba: {  	_ =	sfence.sel $0x180000  }
0xbb: {  	[bflag:$0x0] =	sbarrier.arrive $0xFFFF  }
0xbc: {  	_ =	strace $0x90000047  }
0xbd: {  	s0 =	stileid.u32;
	[bflag:$0x2] =	sbarrier.arrive $0xFFFF  }
0xbe: {  	p0 =	sne.s32 s0, $0x0;
	s0 =	rddreg [dreg:$0x2]  }
0xbf: {  	s0 =	sadd.s32 @!p0 $0x100000, s0  }
0xc0: {  	[sflag:s0] =	ssyncadd.tile.s32 @!p0 $0x1;
	_ =	shalt  }
.Lfunc_end2:
_tile_overlayer_lowered:
.L_overlay_start_2:
0xc1: {  	(tag) =	ssettag $0x2  }
0xc2: {  	s0 =	rddreg [dreg:$0x0];
	s2 =	stileid.u32  }
0xc3: {  	s1 =	rddreg [dreg:$0x1];
	p0 =	sne.s32 s2, $0x0  }
0xc4: {  	s3 =	rddreg [dreg:$0x2];
	[bflag:$0x3] =	sbarrier.arrive $0xFFFF;
	s2 =	simm.s32 @!p0 $0x1C09  }
0xc5: {  	[timem:s3], [sflag:s2] =	dma.local @!p0 [hbm:s0], s1  }
0xc6: {  	s0 =	simm.s32 @!p0 $0x9  }
0xc7: {  	_ =	swait.ge @!p0 [sflag:s0], s1  }
0xc8: {  	s1 =	ssub.s32 @!p0 $0x0, s1;
	[sflag:s0] =	ssyncset.done @!p0 $0x0  }
0xc9: {  	[sflag:s0] =	ssyncadd.s32 @!p0 s1  }
0xca: {  	[bflag:$0x3] =	sbarrier.arrive $0xFFFF  }
0xcb: {  	_ =	shalt  }

// kernel: sparse-core-data-format-call.cloned.1.call-start
scs
called_computation_lowered:
.L_overlay_start_0:
0x0: {  	s2 =	sld [smem:$0x3FD9]  }
0x1: {  	s3 =	sld [smem:$0x3FFE];
	_ =	sdelay $0x1  }
0x2: {  	s1 =	srdreg.scid  }
0x3: {  	s0 =	sand.u32 $0x1, s1  }
0x4: {  	s18 =	sshll.u32 s0, $0xA;
	s2 =	sadd.s32 s3, s2  }
0x5: {  	s2 =	sadd.s32 s2, s18  }
0x6: {  	[smem:$0x3FC6] =	sst s2  }
0x7: {  	_ = 	snop  }
0x8: {  	s2 =	sld [smem:$0x3FD0];
	(tm) =	ssettm $0x1  }
0x9: {  	s19 =	sld [smem:$0x3FFB];
	_ =	sdelay $0x3  }
0xa: {  	_ =	strace s19  }
0xb: {  	s3 =	sld [smem:$0x3FFC];
	_ =	sdelay $0x3  }
0xc: {  	_ =	strace s3  }
0xd: {  	s3 =	sld [smem:$0x3FFD];
	_ =	sdelay $0x3  }
0xe: {  	_ =	strace s3  }
0xf: {  	_ =	strace $0x8FFFFFFF  }
0x10: {  	s20 =	sld [smem:$0x3FDB];
	_ =	sdelay $0x1  }
0x11: {  	s4 =	simm.s32 $_scs_section_size  }
0x12: {  	s5 =	simm.s32 $_size__tile_overlayer_lowered;
	s6 =	simm.s32 $_tile_overlayer_lowered  }
0x13: {  	s23 =	simm.s32 $0x1BFF;
	s22 =	sshll.u32 s6, $0x1;
	s3 =	sadd.s32 s4, s20  }
0x14: {  	s7 =	simm.s32 $0x0;
	s21 =	sshll.u32 s5, $0x1;
	s5 =	sadd.s32 s22, s3  }
0x15: {  	[timem:s7], [sflag:s23] =	dma.local [hbm:s5], s21  }
0x16: {  	_ =	swait.ge [sflag:s23], s21  }
0x17: {  	s4 =	ssub.s32 $0x0, s21;
	[sflag:s23] =	ssyncset.done $0x0  }
0x18: {  	[sflag:s23] =	ssyncadd.s32 s4;
	_ =	sdelay $0x1  }
0x19: {  	s24 =	simm.s32 $0x1B8B  }
0x1a: {  	_ =	swait.ge [sflag:s24], $0x1  }
0x1b: {  	[sflag:s24] =	ssyncset.done $0x0  }
0x1c: {  	s26 =	simm.s32 $0x1B8E;
	s25 =	sld [smem:$0x3FFE];
	[sflag:s24] =	ssyncadd.s32 $0xFFFFFFFF  }
0x1d: {  	s27 =	simm.s32 $execute0_lowered;
	[smem:$0x3FD2] =	sst s26  }
0x1e: {  	s5 =	sshll.u32 s27, $0x1;
	_ =	strace $0x80000049;
	[dreg:$0x1] =	wrdreg $0xFFFFFFFF  }
0x1f: {  	s28 =	simm.s32 $_size_execute0_lowered;
	s3 =	sadd.s32 s3, s5;
	[dreg:$0x0] =	wrdreg $0x0  }
0x20: {  	s5 =	sshll.u32 s28, $0x1;
	[dreg:$0x2] =	wrdreg s3  }
0x21: {  	[dreg:$0x3] =	wrdreg s5  }
0x22: {  	[dreg:$0x4] =	wrdreg $0xC0  }
0x23: {  	_ =	task [dreg:s7], $0x5FFFF  }
0x24: {  	[dreg:$0x1] =	wrdreg $0xFFFFFFFF  }
0x25: {  	[dreg:$0x0] =	wrdreg $0x60  }
0x26: {  	[dreg:$0x2] =	wrdreg s25  }
0x27: {  	[dreg:$0x3] =	wrdreg s2  }
0x28: {  	[dreg:$0x4] =	wrdreg $0x9  }
0x29: {  	_ =	task.clear_ibuf [dreg:s7], $0x5FFFF;
	_ =	strace $0x90000049  }
0x2a: {  	s29 =	simm.s32 $0x9;
	_ =	strace $0x8000004B  }
0x2b: {  	_ =	swait.ge [sflag:s29], $0x1  }
0x2c: {  	[sflag:s29] =	ssyncadd.s32 $0xFFFFFFFF  }
0x2d: {  	_ =	strace $0x9000004B  }
0x2e: {  	_ =	sfence  }
0x2f: {  	s30 =	sld [smem:$0x0];
	_ =	sdelay $0x2  }
0x30: {  	s31 =	sshll.u32 s1, $0xD;
	s1 =	sshrl.u32 s1, $0x2  }
0x31: {  	s3 =	sand.u32 $0x4000, s31;
	s1 =	sadd.s32 s1, s30  }
0x32: {  	s0 =	sor.u32 s3, s0;
	s1 =	sshll.u32 s1, $0x11  }
0x33: {  	s0 =	sor.u32 s1, s0  }
0x34: {  	s0 =	sadd.s32 $0x8F2B, s0  }
0x35: {  	[sflag:s0] =	ssyncadd.remote.s32 $0x1  }
0x36: {  	_ =	sfence.sel $0xFFFF  }
0x37: {  	[dreg:$0x0] =	wrdreg $0xFFFFFFFF;
	(pc) =	sbr.abs _section_cstart, $3  }
0x38: {  	[dreg:$0x1] =	wrdreg $0xFFFFFFFF  }
0x39: {  	_ =	task.clear_ibuf [dreg:s7], $0x2FFFF;
	_ =	strace $0x9FFFFFFF  }
0x3a: {  	(tm) =	ssettm $0x7FFFFFFF  }
0x3b: {  	_ =	shalt  }
tec
execute0_lowered:
.L_overlay_start_1:
0x0: {  	(tag) =	ssettag $0x1  }
0x1: {  	s0 =	srdreg.scid  }
0x2: {  	s1 =	sshll.u32 s0, $0x4  }
0x3: {  	s0 =	stileid.u32;
	s1 =	sand.u32 $0x10, s1  }
0x4: {  	s1 =	sor.u32 s0, s1  }
0x5: {  	s6 =	rddreg [dreg:$0x0];
	s4 =	simm.s32 $0x1;
	s2 =	sshll.u32 s1, $0x7  }
0x6: {  	s7 =	simm.s32 $0x2;
	s12 =	simm.s32 $0x0;
	s1 =	ssub.s32 $0x4000, s2  }
0x7: {  	s8 =	simm.s32 $0x20000;
	s13 =	simm.s32 $0x0;
	s3 =	sand.u32 $0xF80, s1  }
0x8: {  	s9 =	simm.s32 $0x0;
	s5 =	sshrl.u32 s1, $0xC;
	p0 =	sne.s32 s3, $0x0  }
.Ltmp0:
0x9: {  	s1 =	rddreg [dreg:$0x2];
	s4 =	simm.s32 @!p0 $0x0;
	(pc) =	sbr.rel .LBB1_1-.Ltmp0, $4  }
0xa: {  	s11 =	simm.s32 $0x0;
	s3 =	rddreg [dreg:$0x1];
	s5 =	sadd.s32 s4, s5  }
0xb: {  	_ =	strace $0x8000004A;
	s4 =	simm.s32 $0x1;
	s5 =	smul.u32 $0x32, s5  }
0xc: {  	s6 =	sadd.s32 $0xA00, s6;
	s10 =	smov.u32 s2;
	[sflag:s4] =	ssyncpa.u1 $0x0  }
0xd: {  	p0 =	por $0x0, $0x0;
	[sflag:s7] =	ssyncpa.u1 $0x0;
	s7 =	sor.u32 $0x1, s5  }
.LBB1_4:
0xe: {  	s16 =	sshll.u32 s13, $0x3;
	s17 =	sand.u32 $0x78, s13  }
0xf: {  	s30 =	sand.u32 $0x1F800, s13;
	s12 =	sshll.u32 s12, $0x11;
	s16 =	sand.u32 $0x3C00, s16  }
0x10: {  	[tilespmem:s15+$0x810 ss:$0x81] =	vst.msk $0xffff, v2;
	s31 =	sand.u32 $0x7, s13;
	s16 =	sor.u32 s17, s16;
	s17 =	sadd.s32 s3, s30  }
0x11: {  	[tilespmem:s15+$0x1020 ss:$0x81] =	vst.msk $0xffff, v0;
	s13 =	sshll.u32 s31, $0x12;
	s12 =	sadd.s32 s12, s17;
	s16 =	sshrl.u32 s16, $0x3  }
0x12: {  	[tilespmem:s15+$0x0 ss:$0x81] =	vst.msk $0xffff, v1;
	s13 =	sor.u32 $0x400, s13;
	s12 =	sadd.s32 s16, s12  }
0x13: {  	[hbm4b:s12+s13] =	stream.strided.scatter [tilespmem:s14], [sflag:$0x2], $0x2000, s8, s13, $0x20;
	[tilespmem:$0x8080] =	vst v63  }
.LBB1_5:
0x14: {  	s14 =	sadd.s32 $0x1, s9  }
0x15: {  	s12 =	sadd.s32 $0x1000, s10;
	s16 =	smov.u32 s10;
	p2 =	sgt.s32 s14, $0x31  }
0x16: {  	s16 =	smov.u32 @p2 s12  }
0x17: {  	s14 =	simm.s32 @p2 $0x0;
	p2 =	sgt.s32 s16, $0x3FFF  }
0x18: {  	s16 =	smov.u32 @p2 s2;
	p2 =	sne.s32 s11, s7  }
.Ltmp1:
0x19: {  	p1 =	slt.u32 s11, $0x2;
	(pc) =	sbr.rel @!p2 .LBB1_6-.Ltmp1, $4  }
0x1a: {  	s15 =	simm.s32 @!p1 $0x2  }
0x1b: {  	s13 =	smov.u32 s10;
	p0 =	por !p0, !p0;
	_ =	swait.ge @!p1 [sflag:s15], $0x2000  }
0x1c: {  	s12 =	smov.u32 s9;
	[sflag:s15] =	ssyncset.done @!p1 $0x0;
	s9 =	smov.u32 s14  }
0x1d: {  	s11 =	sadd.s32 $0x1, s11;
	[sflag:s15] =	ssyncadd.s32 @!p1 $0xFFFFE000;
	s10 =	smov.u32 s16  }
.LBB1_1:
0x1e: {  	p1 =	sge.u32 s11, s5  }
0x1f: {  	s14 =	sand.u32 @!p1 $0x1FFFFFF, s9  }
0x20: {  	s15 =	smulhi.u32 @!p1 $0x4924925, s14;
	_ =	sdelay $0x1  }
0x21: {  	s15 =	smul.u32 @!p1 $0x38, s15  }
0x22: {  	s16 =	sxor.u32 @!p1 $0xFFFFFFFF, s11;
	s17 =	smul.u32 @!p1 $0x380, s10  }
0x23: {  	s31 =	sadd.s32 $0xFFFFFFFF, s11;
	s16 =	sshll.u32 @!p1 s16, $0xD;
	s14 =	ssub.s32 @!p1 s14, s15  }
0x24: {  	s15 =	sand.u32 @!p1 $0x2000, s16;
	s16 =	sadd.s32 @!p1 s6, s17;
	s14 =	sshll.u32 @!p1 s14, $0x4  }
0x25: {  	s17 =	simm.s32 @!p1 $0x1C00;
	s14 =	sadd.s32 @!p1 s14, s16;
	s16 =	simm.s32 @!p1 $0x40  }
0x26: {  	[tilespmem:s15], [sflag:$0x1] =	stream.strided.gather @!p1 [hbm4b:s14+s16], $0x2000, s17, s16, $0x38;
	[tilespmem:$0x8080] =	vst v63  }
0x27: {  	p1 =	sge.u32 s31, s5  }
.Ltmp2:
0x28: {  	_ = 	snop;
	(pc) =	sbr.rel @p1 .LBB1_5-.Ltmp2, $1  }
0x29: {  	_ =	sdelay $0x3  }
0x2a: {  	s14 =	simm.s32 $0x1  }
0x2b: {  	_ =	swait.ge [sflag:s4], $0x2000;
	s14 =	simm.s32 @!p0 $0x0  }
0x2c: {  	[sflag:s4] =	ssyncset.done $0x0;
	s15 =	sshll.u32 s14, $0xD  }
0x2d: {  	[sflag:s4] =	ssyncadd.s32 $0xFFFFE000;
	s18 =	sor.u32 $0x20, s15  }
0x2e: {  	s14 =	smul.u32 $0x8100, s14;
	v3 =	vld [tilespmem:s18+$0x10]  }
0x2f: {  	s30 =	sand.u32 $0x1, s11;
	v2 =	vld [tilespmem:s18+$0xFFFFFFF0]  }
0x30: {  	s15 =	smul.u32 $0x8100, s30;
	s14 =	sshrl.u32 s14, $0x2;
	v0 =	vld [tilespmem:s18+$0x0]  }
0x31: {  	v1 =	vld [tilespmem:s18+$0xFFFFFFE0];
	s16 =	sor.u32 $0x4000, s14  }
0x32: {  	s31 =	sshrl.u32 s15, $0x2;
	s15 =	sadd.s32 $0x0, s16  }
0x33: {  	s17 =	simm.s32 $0x4;
	s18 =	sadd.s32 $0x40, s18;
	s14 =	sor.u32 $0x4000, s31;
	[tilespmem:s15+$0x1830 ss:$0x81] =	vst.msk $0xffff, v3  }
.LBB1_3:
0x34: {  	v3 =	vld [tilespmem:s18+$0x10];
	p1 =	sne.s32 s17, $0x1FC;
	[tilespmem:s15+$0x810 ss:$0x81] =	vst.msk $0xffff, v2;
	s19 =	smov.u32 s17;
	s17 =	sadd.s32 $0x4, s17  }
.Ltmp3:
0x35: {  	v2 =	vld [tilespmem:s18+$0xFFFFFFF0];
	[tilespmem:s15+$0x1020 ss:$0x81] =	vst.msk $0xffff, v0;
	(pc) =	sbr.rel @p1 .LBB1_3-.Ltmp3, $4  }
0x36: {  	v0 =	vld [tilespmem:s18+$0x0];
	[tilespmem:s15+$0x0 ss:$0x81] =	vst.msk $0xffff, v1  }
0x37: {  	s15 =	sshra.s32 s19, $0x2;
	v1 =	vld [tilespmem:s18+$0xFFFFFFE0]  }
0x38: {  	s15 =	sadd.s32 s15, s16  }
0x39: {  	s18 =	sadd.s32 $0x40, s18;
	[tilespmem:s15+$0x1830 ss:$0x81] =	vst.msk $0xffff, v3  }
.Ltmp4:
0x3a: {  	_ = 	snop;
	(pc) =	sbr.rel .LBB1_4-.Ltmp4, $1  }
0x3b: {  	_ =	sdelay $0x3  }
.LBB1_6:
0x3c: {  	_ =	sfence.sel $0x180000  }
0x3d: {  	s2 =	simm.s32 $0x1;
	[bflag:$0x0] =	sbarrier.arrive $0xFFFF  }
0x3e: {  	s31 =	simm.s32 $0x2;
	[sflag:s2] =	ssyncpa.u1 $0x1  }
0x3f: {  	[sflag:s31] =	ssyncpa.u1 $0x1  }
0x40: {  	p0 =	sne.s32 s0, $0x0;
	_ =	strace $0x9000004A  }
0x41: {  	s0 =	sadd.s32 @!p0 $0x100000, s1;
	[bflag:$0x2] =	sbarrier.arrive $0xFFFF  }
0x42: {  	[sflag:s0] =	ssyncadd.tile.s32 @!p0 $0x1;
	_ =	shalt  }
.Lfunc_end1:
_tile_overlayer_lowered:
.L_overlay_start_2:
0x43: {  	(tag) =	ssettag $0x2  }
0x44: {  	s0 =	rddreg [dreg:$0x0];
	s2 =	stileid.u32  }
0x45: {  	s1 =	rddreg [dreg:$0x1];
	p0 =	sne.s32 s2, $0x0  }
0x46: {  	s3 =	rddreg [dreg:$0x2];
	[bflag:$0x3] =	sbarrier.arrive $0xFFFF;
	s2 =	simm.s32 @!p0 $0x1C01  }
0x47: {  	[timem:s3], [sflag:s2] =	dma.local @!p0 [hbm:s0], s1  }
0x48: {  	s0 =	simm.s32 @!p0 $0x1  }
0x49: {  	_ =	swait.ge @!p0 [sflag:s0], s1  }
0x4a: {  	s1 =	ssub.s32 @!p0 $0x0, s1;
	[sflag:s0] =	ssyncset.done @!p0 $0x0  }
0x4b: {  	[sflag:s0] =	ssyncadd.s32 @!p0 s1  }
0x4c: {  	[bflag:$0x3] =	sbarrier.arrive $0xFFFF  }
0x4d: {  	_ =	shalt  }

</sc_bundles>
